<compile_context>
chip_gen: v7x
topology: tpu7x:2x2x1
jax: 0.10.2.dev20260603
libtpu: 0.0.44.dev20260713+nightly
codegen_flags: <defaults>
</compile_context>

<pallas_src>
import functools

import jax
import jax.numpy as jnp
from jax import lax
from jax.experimental import pallas as pl
from jax.experimental.pallas import tpu as pltpu
from jax.experimental.pallas import tpu_sc as plsc

_N_BINS = 10
_NC = 2
_NS = 16
_NW = _NC * _NS
_CH = 32
_L = 16


def _sc_body(probas_hbm, labels_hbm, conf_hbm, corr_hbm,
             buf0, buf1, lab_v, conf_v, corr_v, sems):
    n, c = probas_hbm.shape
    rows_per_w = n // _NW
    nchunks = rows_per_w // _CH
    wid = lax.axis_index("s") * _NC + lax.axis_index("c")
    base_row = wid * rows_per_w

    pltpu.make_async_copy(
        labels_hbm.at[pl.ds(base_row, rows_per_w)], lab_v, sems.at[0]
    ).start()
    pltpu.make_async_copy(
        labels_hbm.at[pl.ds(base_row, rows_per_w)], lab_v, sems.at[0]
    ).wait()

    bufs = (buf0, buf1)

    def start_chunk(i, slot):
        pltpu.make_async_copy(
            probas_hbm.at[pl.ds(base_row + i * _CH, _CH), :],
            bufs[slot], sems.at[slot]
        ).start()

    def wait_chunk(i, slot):
        pltpu.make_async_copy(
            probas_hbm.at[pl.ds(base_row + i * _CH, _CH), :],
            bufs[slot], sems.at[slot]
        ).wait()

    start_chunk(jnp.int32(0), 0)
    start_chunk(jnp.int32(1), 1)

    lanes = lax.iota(jnp.int32, _L)

    def process_chunk(chunk_idx, slot):
        buf = bufs[slot]
        for grp in range(_CH // _L):
            idx_r = jnp.full((_L,), grp * _L, jnp.int32) + lanes
            neg = jnp.full((_L,), -jnp.inf, jnp.float32)

            m = buf[grp, pl.ds(0, _L)]

            local0 = chunk_idx * _CH + grp * _L
            lab16 = lab_v[pl.ds(local0, _L)]
            g = plsc.load_gather(buf, [idx_r, lab16])
            cf = jnp.where(g == m, jnp.float32(1.0), jnp.float32(0.0))
            conf_v[pl.ds(local0, _L)] = m
            corr_v[pl.ds(local0, _L)] = cf

    def pair_body(p, _):
        for k in range(2):
            i = 2 * p + k
            wait_chunk(i, k)
            process_chunk(i, k)

            @pl.when(i + 2 < nchunks)
            def _():
                start_chunk(i + 2, k)
        return _

    lax.fori_loop(0, nchunks // 2, pair_body, None)

    pltpu.make_async_copy(
        conf_v, conf_hbm.at[pl.ds(base_row, rows_per_w)], sems.at[0]
    ).start()
    pltpu.make_async_copy(
        conf_v, conf_hbm.at[pl.ds(base_row, rows_per_w)], sems.at[0]
    ).wait()
    pltpu.make_async_copy(
        corr_v, corr_hbm.at[pl.ds(base_row, rows_per_w)], sems.at[0]
    ).start()
    pltpu.make_async_copy(
        corr_v, corr_hbm.at[pl.ds(base_row, rows_per_w)], sems.at[0]
    ).wait()


def _sc_stage(probas, labels):
    n, c = probas.shape
    rows_per_w = n // _NW
    mesh = plsc.VectorSubcoreMesh(core_axis_name="c", subcore_axis_name="s")
    fn = pl.kernel(
        _sc_body,
        out_type=[
            jax.ShapeDtypeStruct((n,), jnp.float32),
            jax.ShapeDtypeStruct((n,), jnp.float32),
        ],
        mesh=mesh,
        scratch_types=[
            pltpu.VMEM((_CH, c), jnp.float32),
            pltpu.VMEM((_CH, c), jnp.float32),
            pltpu.VMEM((rows_per_w,), jnp.int32),
            pltpu.VMEM((rows_per_w,), jnp.float32),
            pltpu.VMEM((rows_per_w,), jnp.float32),
            pltpu.SemaphoreType.DMA((2,)),
        ],
        compiler_params=pltpu.CompilerParams(needs_layout_passes=False),
    )
    return fn(probas, labels)


def _ce_finish_kernel(bins_ref, conf_ref, corr_ref, out_ref):
    conf = conf_ref[...]
    corr = corr_ref[...]
    bins = [bins_ref[b] for b in range(_N_BINS + 1)]
    total = jnp.float32(0.0)
    cnts = []
    cfs = []
    acs = []
    for b in range(_N_BINS):
        mb = ((conf > bins[b]) & (conf <= bins[b + 1])).astype(jnp.float32)
        cnt_b = jnp.sum(mb)
        cnts.append(cnt_b)
        cfs.append(jnp.sum(mb * conf))
        acs.append(jnp.sum(mb * corr))
        total = total + cnt_b
    ce2 = jnp.float32(0.0)
    for b in range(_N_BINS):
        denom = jnp.maximum(cnts[b], 1.0)
        diff = cfs[b] / denom - acs[b] / denom
        term = (cnts[b] / total) * diff * diff
        ce2 = ce2 + jnp.where(cnts[b] > 0, term, 0.0)
    out_ref[...] = jnp.sqrt(jnp.broadcast_to(ce2, (1, 1)))


def _finish(conf, corr):
    s = conf.shape[0]
    conf2 = conf.reshape(s // 128, 128)
    corr2 = corr.reshape(s // 128, 128)
    bins = jnp.linspace(0.0, 1.0, _N_BINS + 1)
    out = pl.pallas_call(
        _ce_finish_kernel,
        in_specs=[
            pl.BlockSpec(memory_space=pltpu.MemorySpace.SMEM),
            pl.BlockSpec(memory_space=pltpu.MemorySpace.VMEM),
            pl.BlockSpec(memory_space=pltpu.MemorySpace.VMEM),
        ],
        out_shape=jax.ShapeDtypeStruct((1, 1), jnp.float32),
    )(bins, conf2, corr2)
    return out[0, 0]


def kernel(probas, labels):
    conf, corr = _sc_stage(probas, labels)
    return _finish(conf, corr)

# --- scband reference (transcript-rebuilt; emitter-appended) ---
"""Pipeline reference for scband-top-label-calibration-error-46188078301367 (READ-ONLY COPY).

The authoritative reference and input builder live on the scoring server;
editing this copy changes nothing except your own understanding.
"""

import jax, jax.numpy as jnp
import numpy as np

N_BINS = 10
P = 2


def setup_inputs(seed: int = 0) -> dict:
    key = jax.random.key(seed)
    k1, k2 = jax.random.split(key)
    probas = jax.random.uniform(k1, (16384, 1000), dtype=jnp.float32)
    labels = jax.random.randint(k2, (16384,), 0, 1000, dtype=jnp.int32)
    return {"probas": probas, "labels": labels}


def reference(probas, labels):
    bins = jnp.linspace(0.0, 1.0, N_BINS + 1)
    pred_confs = probas.max(axis=-1)
    pred_labels = probas.argmax(axis=-1)
    correct = (pred_labels == labels).astype(jnp.float32)
    # histogram binning: in_bin[b, n] = bin_start[b] < conf[n] <= bin_end[b]
    lo = bins[:-1][:, None]
    hi = bins[1:][:, None]
    in_bin = (lo < pred_confs[None, :]) & (pred_confs[None, :] <= hi)
    in_bin_f = in_bin.astype(jnp.float32)
    n_samples = in_bin_f.sum(axis=1)
    conf_sum = (in_bin_f * pred_confs[None, :]).sum(axis=1)
    acc_sum = (in_bin_f * correct[None, :]).sum(axis=1)
    valid = n_samples > 0
    denom = jnp.maximum(n_samples, 1.0)
    safe_confs = jnp.where(valid, conf_sum / denom, 0.0)
    safe_accs = jnp.where(valid, acc_sum / denom, 0.0)
    # calibration_error with bin_weight='samples':
    # probas_bin = n_samples / nansum(n_samples); ce = nansum(probas_bin*(confs-accs)**p)**(1/p)
    # nan entries (empty bins) contribute 0 to nansum; equivalent masked form:
    probas_bin = n_samples / n_samples.sum()
    terms = probas_bin * (safe_confs - safe_accs) ** P * valid.astype(jnp.float32)
    ce = jnp.sum(terms) ** (1.0 / P)
    return ce

if __name__ == "__main__":
    import jax
    _d = setup_inputs()
    print(jax.jit(kernel)(*tuple(_d.values())))

</pallas_src>

<mosaic_0001>
#map = affine_map<(d0, d1) -> (0, 0)>
#map1 = affine_map<(d0, d1) -> (0)>
module attributes {stable_mosaic.version = 14 : i64} {
  func.func @_sc_body(%arg0: i32, %arg1: i32, %arg2: memref<16384x1000xf32, #tpu.memory_space<hbm>>, %arg3: memref<16384xi32, #tpu.memory_space<hbm>>, %arg4: memref<16384xf32, #tpu.memory_space<hbm>>, %arg5: memref<16384xf32, #tpu.memory_space<hbm>>, %arg6: memref<32x1000xf32, #tpu.memory_space<vmem>>, %arg7: memref<32x1000xf32, #tpu.memory_space<vmem>>, %arg8: memref<512xi32, #tpu.memory_space<vmem>>, %arg9: memref<512xf32, #tpu.memory_space<vmem>>, %arg10: memref<512xf32, #tpu.memory_space<vmem>>, %arg11: memref<2x!tpu.dma_semaphore, #tpu.memory_space<semaphore_mem>>) attributes {dimension_semantics = [#tpu.dimension_semantics<core_parallel>, #tpu.dimension_semantics<subcore_parallel>], iteration_bounds = array<i64: 2, 16>, scalar_prefetch = 0 : i64, scratch_operands = 6 : i64, tpu.core_type = #tpu.core_type<sc_vector_subcore>, window_params = [{transform_indices = #map}, {transform_indices = #map1}, {transform_indices = #map1}, {transform_indices = #map1}]} {
    %mul3A = arith.constant 2 : i32
    %mul3A_0 = arith.muli %arg1, %mul3A : i32
    %add3A = arith.addi %mul3A_0, %arg0 : i32
    %mul3A_1 = arith.constant 512 : i32
    %mul3A_2 = arith.muli %add3A, %mul3A_1 : i32
    %dma_start3A = arith.constant 0 : i32
    %dma_start3A_3 = tpu.memref_slice %arg3[%mul3A_2] : memref<16384xi32, #tpu.memory_space<hbm>> -> memref<512xi32, #tpu.memory_space<hbm>>
    %dma_start3A_4 = tpu.memref_slice %arg11[%dma_start3A] : memref<2x!tpu.dma_semaphore, #tpu.memory_space<semaphore_mem>> -> memref<1x!tpu.dma_semaphore, #tpu.memory_space<semaphore_mem>>
    %dma_start3A_5 = tpu.memref_squeeze %dma_start3A_4 : memref<1x!tpu.dma_semaphore, #tpu.memory_space<semaphore_mem>> -> memref<!tpu.dma_semaphore, #tpu.memory_space<semaphore_mem>>
    %dma_start3A_6 = tpu.memref_slice %arg3[%mul3A_2] : memref<16384xi32, #tpu.memory_space<hbm>> -> memref<512xi32, #tpu.memory_space<hbm>>
    tpu.enqueue_dma source(%dma_start3A_6 : memref<512xi32, #tpu.memory_space<hbm>>) target(%arg8 : memref<512xi32, #tpu.memory_space<vmem>>) target_semaphore(%dma_start3A_5 : memref<!tpu.dma_semaphore, #tpu.memory_space<semaphore_mem>>)
    %dma_wait3A = arith.constant 0 : i32
    %dma_wait3A_7 = tpu.memref_slice %arg3[%mul3A_2] : memref<16384xi32, #tpu.memory_space<hbm>> -> memref<512xi32, #tpu.memory_space<hbm>>
    %dma_wait3A_8 = tpu.memref_slice %arg11[%dma_wait3A] : memref<2x!tpu.dma_semaphore, #tpu.memory_space<semaphore_mem>> -> memref<1x!tpu.dma_semaphore, #tpu.memory_space<semaphore_mem>>
    %dma_wait3A_9 = tpu.memref_squeeze %dma_wait3A_8 : memref<1x!tpu.dma_semaphore, #tpu.memory_space<semaphore_mem>> -> memref<!tpu.dma_semaphore, #tpu.memory_space<semaphore_mem>>
    %dma_wait3A_10 = tpu.memref_slice %arg3[%mul3A_2] : memref<16384xi32, #tpu.memory_space<hbm>> -> memref<512xi32, #tpu.memory_space<hbm>>
    tpu.wait_dma2 semaphore(%dma_wait3A_9 : memref<!tpu.dma_semaphore, #tpu.memory_space<semaphore_mem>>) src(%dma_wait3A_10 : memref<512xi32, #tpu.memory_space<hbm>>) dst(%arg8 : memref<512xi32, #tpu.memory_space<vmem>>)
    %mul3A_11 = arith.constant 0 : i32
    %mul3A_12 = arith.constant 32 : i32
    %mul3A_13 = arith.muli %mul3A_11, %mul3A_12 : i32
    %add3A_14 = arith.addi %mul3A_2, %mul3A_13 : i32
    %dma_start3A_15 = arith.constant 0 : i32
    %dma_start3A_16 = arith.constant 0 : i32
    %dma_start3A_17 = tpu.memref_slice %arg2[%add3A_14, %dma_start3A_16] : memref<16384x1000xf32, #tpu.memory_space<hbm>> -> memref<32x1000xf32, #tpu.memory_space<hbm>>
    %dma_start3A_18 = tpu.memref_slice %arg11[%dma_start3A_15] : memref<2x!tpu.dma_semaphore, #tpu.memory_space<semaphore_mem>> -> memref<1x!tpu.dma_semaphore, #tpu.memory_space<semaphore_mem>>
    %dma_start3A_19 = tpu.memref_squeeze %dma_start3A_18 : memref<1x!tpu.dma_semaphore, #tpu.memory_space<semaphore_mem>> -> memref<!tpu.dma_semaphore, #tpu.memory_space<semaphore_mem>>
    %dma_start3A_20 = arith.constant 0 : i32
    %dma_start3A_21 = tpu.memref_slice %arg2[%add3A_14, %dma_start3A_20] : memref<16384x1000xf32, #tpu.memory_space<hbm>> -> memref<32x1000xf32, #tpu.memory_space<hbm>>
    tpu.enqueue_dma source(%dma_start3A_21 : memref<32x1000xf32, #tpu.memory_space<hbm>>) target(%arg6 : memref<32x1000xf32, #tpu.memory_space<vmem>>) target_semaphore(%dma_start3A_19 : memref<!tpu.dma_semaphore, #tpu.memory_space<semaphore_mem>>)
    %mul3A_22 = arith.constant 1 : i32
    %mul3A_23 = arith.constant 32 : i32
    %mul3A_24 = arith.muli %mul3A_22, %mul3A_23 : i32
    %add3A_25 = arith.addi %mul3A_2, %mul3A_24 : i32
    %dma_start3A_26 = arith.constant 1 : i32
    %dma_start3A_27 = arith.constant 0 : i32
    %dma_start3A_28 = tpu.memref_slice %arg2[%add3A_25, %dma_start3A_27] : memref<16384x1000xf32, #tpu.memory_space<hbm>> -> memref<32x1000xf32, #tpu.memory_space<hbm>>
    %dma_start3A_29 = tpu.memref_slice %arg11[%dma_start3A_26] : memref<2x!tpu.dma_semaphore, #tpu.memory_space<semaphore_mem>> -> memref<1x!tpu.dma_semaphore, #tpu.memory_space<semaphore_mem>>
    %dma_start3A_30 = tpu.memref_squeeze %dma_start3A_29 : memref<1x!tpu.dma_semaphore, #tpu.memory_space<semaphore_mem>> -> memref<!tpu.dma_semaphore, #tpu.memory_space<semaphore_mem>>
    %dma_start3A_31 = arith.constant 0 : i32
    %dma_start3A_32 = tpu.memref_slice %arg2[%add3A_25, %dma_start3A_31] : memref<16384x1000xf32, #tpu.memory_space<hbm>> -> memref<32x1000xf32, #tpu.memory_space<hbm>>
    tpu.enqueue_dma source(%dma_start3A_32 : memref<32x1000xf32, #tpu.memory_space<hbm>>) target(%arg7 : memref<32x1000xf32, #tpu.memory_space<vmem>>) target_semaphore(%dma_start3A_30 : memref<!tpu.dma_semaphore, #tpu.memory_space<semaphore_mem>>)
    %iota3A = tpu.iota {dimensions = array<i32: 0>} : vector<16xi32>
    %scan3A = arith.constant 0 : i32
    %scan3A_33 = arith.constant 8 : i32
    %scan3A_34 = arith.addi %scan3A, %scan3A_33 : i32
    %scan3A_35 = arith.constant 1 : i32
    scf.for %scan3A_57 = %scan3A to %scan3A_34 step %scan3A_35  : i32 {
      %mul3A_58 = arith.constant 2 : i32
      %mul3A_59 = arith.muli %mul3A_58, %scan3A_57 : i32
      %add3A_60 = arith.constant 0 : i32
      %add3A_61 = arith.addi %mul3A_59, %add3A_60 : i32
      %mul3A_62 = arith.constant 32 : i32
      %mul3A_63 = arith.muli %add3A_61, %mul3A_62 : i32
      %add3A_64 = arith.addi %mul3A_2, %mul3A_63 : i32
      %dma_wait3A_65 = arith.constant 0 : i32
      %dma_wait3A_66 = arith.constant 0 : i32
      %dma_wait3A_67 = tpu.memref_slice %arg2[%add3A_64, %dma_wait3A_66] : memref<16384x1000xf32, #tpu.memory_space<hbm>> -> memref<32x1000xf32, #tpu.memory_space<hbm>>
      %dma_wait3A_68 = tpu.memref_slice %arg11[%dma_wait3A_65] : memref<2x!tpu.dma_semaphore, #tpu.memory_space<semaphore_mem>> -> memref<1x!tpu.dma_semaphore, #tpu.memory_space<semaphore_mem>>
      %dma_wait3A_69 = tpu.memref_squeeze %dma_wait3A_68 : memref<1x!tpu.dma_semaphore, #tpu.memory_space<semaphore_mem>> -> memref<!tpu.dma_semaphore, #tpu.memory_space<semaphore_mem>>
      %dma_wait3A_70 = arith.constant 0 : i32
      %dma_wait3A_71 = tpu.memref_slice %arg2[%add3A_64, %dma_wait3A_70] : memref<16384x1000xf32, #tpu.memory_space<hbm>> -> memref<32x1000xf32, #tpu.memory_space<hbm>>
      tpu.wait_dma2 semaphore(%dma_wait3A_69 : memref<!tpu.dma_semaphore, #tpu.memory_space<semaphore_mem>>) src(%dma_wait3A_71 : memref<32x1000xf32, #tpu.memory_space<hbm>>) dst(%arg6 : memref<32x1000xf32, #tpu.memory_space<vmem>>)
      %broadcast_in_dim3A = arith.constant 0 : i32
      %broadcast_in_dim3A_72 = vector.broadcast %broadcast_in_dim3A : i32 to vector<16xi32>
      %add3A_73 = arith.addi %broadcast_in_dim3A_72, %iota3A : vector<16xi32>
      %broadcast_in_dim3A_74 = arith.constant 0xFF800000 : f32
      %broadcast_in_dim3A_75 = vector.broadcast %broadcast_in_dim3A_74 : f32 to vector<16xf32>
      %get3A = arith.constant 0 : i32
      %get3A_76 = arith.index_cast %get3A : i32 to index
      %get3A_77 = arith.constant 0 : index
      %get3A_78 = tpu.vector_load %arg6[%get3A_76, %get3A_77] {strides = array<i32>} : memref<32x1000xf32, #tpu.memory_space<vmem>>, vector<16xf32>,
      %mul3A_79 = arith.constant 32 : i32
      %mul3A_80 = arith.muli %add3A_61, %mul3A_79 : i32
      %add3A_81 = arith.constant 0 : i32
      %add3A_82 = arith.addi %mul3A_80, %add3A_81 : i32
      %get3A_83 = arith.index_cast %add3A_82 : i32 to index
      %get3A_84 = tpu.vector_load %arg8[%get3A_83] {strides = array<i32>} : memref<512xi32, #tpu.memory_space<vmem>>, vector<16xi32>,
      %gather3A = tpu.vector_load_idx %arg6[%add3A_73, %get3A_84] : memref<32x1000xf32, #tpu.memory_space<vmem>>[vector<16xi32>, vector<16xi32>], vector<16xf32>,
      %eq3A = arith.cmpf oeq, %gather3A, %get3A_78 : vector<16xf32>
      %jit3A = arith.constant 1.000000e+00 : f32
      %jit3A_85 = arith.constant 0.000000e+00 : f32
      %broadcast_in_dim3A_86 = vector.broadcast %jit3A : f32 to vector<16xf32>
      %broadcast_in_dim3A_87 = vector.broadcast %jit3A_85 : f32 to vector<16xf32>
      %select_n3A = arith.select %eq3A, %broadcast_in_dim3A_86, %broadcast_in_dim3A_87 : vector<16xi1>, vector<16xf32>
      %swap3A = arith.index_cast %add3A_82 : i32 to index
      %swap3A_88 = tpu.vector_load %arg9[%swap3A] {strides = array<i32>} : memref<512xf32, #tpu.memory_space<vmem>>, vector<16xf32>,
      tpu.vector_store %arg9[%swap3A], %get3A_78 {strides = array<i32>} : memref<512xf32, #tpu.memory_space<vmem>>, vector<16xf32>,
      %swap3A_89 = arith.index_cast %add3A_82 : i32 to index
      %swap3A_90 = tpu.vector_load %arg10[%swap3A_89] {strides = array<i32>} : memref<512xf32, #tpu.memory_space<vmem>>, vector<16xf32>,
      tpu.vector_store %arg10[%swap3A_89], %select_n3A {strides = array<i32>} : memref<512xf32, #tpu.memory_space<vmem>>, vector<16xf32>,
      %broadcast_in_dim3A_91 = arith.constant 16 : i32
      %broadcast_in_dim3A_92 = vector.broadcast %broadcast_in_dim3A_91 : i32 to vector<16xi32>
      %add3A_93 = arith.addi %broadcast_in_dim3A_92, %iota3A : vector<16xi32>
      %broadcast_in_dim3A_94 = arith.constant 0xFF800000 : f32
      %broadcast_in_dim3A_95 = vector.broadcast %broadcast_in_dim3A_94 : f32 to vector<16xf32>
      %get3A_96 = arith.constant 1 : i32
      %get3A_97 = arith.index_cast %get3A_96 : i32 to index
      %get3A_98 = arith.constant 0 : index
      %get3A_99 = tpu.vector_load %arg6[%get3A_97, %get3A_98] {strides = array<i32>} : memref<32x1000xf32, #tpu.memory_space<vmem>>, vector<16xf32>,
      %mul3A_100 = arith.constant 32 : i32
      %mul3A_101 = arith.muli %add3A_61, %mul3A_100 : i32
      %add3A_102 = arith.constant 16 : i32
      %add3A_103 = arith.addi %mul3A_101, %add3A_102 : i32
      %get3A_104 = arith.index_cast %add3A_103 : i32 to index
      %get3A_105 = tpu.vector_load %arg8[%get3A_104] {strides = array<i32>} : memref<512xi32, #tpu.memory_space<vmem>>, vector<16xi32>,
      %gather3A_106 = tpu.vector_load_idx %arg6[%add3A_93, %get3A_105] : memref<32x1000xf32, #tpu.memory_space<vmem>>[vector<16xi32>, vector<16xi32>], vector<16xf32>,
      %eq3A_107 = arith.cmpf oeq, %gather3A_106, %get3A_99 : vector<16xf32>
      %jit3A_108 = arith.constant 1.000000e+00 : f32
      %jit3A_109 = arith.constant 0.000000e+00 : f32
      %broadcast_in_dim3A_110 = vector.broadcast %jit3A_108 : f32 to vector<16xf32>
      %broadcast_in_dim3A_111 = vector.broadcast %jit3A_109 : f32 to vector<16xf32>
      %select_n3A_112 = arith.select %eq3A_107, %broadcast_in_dim3A_110, %broadcast_in_dim3A_111 : vector<16xi1>, vector<16xf32>
      %swap3A_113 = arith.index_cast %add3A_103 : i32 to index
      %swap3A_114 = tpu.vector_load %arg9[%swap3A_113] {strides = array<i32>} : memref<512xf32, #tpu.memory_space<vmem>>, vector<16xf32>,
      tpu.vector_store %arg9[%swap3A_113], %get3A_99 {strides = array<i32>} : memref<512xf32, #tpu.memory_space<vmem>>, vector<16xf32>,
      %swap3A_115 = arith.index_cast %add3A_103 : i32 to index
      %swap3A_116 = tpu.vector_load %arg10[%swap3A_115] {strides = array<i32>} : memref<512xf32, #tpu.memory_space<vmem>>, vector<16xf32>,
      tpu.vector_store %arg10[%swap3A_115], %select_n3A_112 {strides = array<i32>} : memref<512xf32, #tpu.memory_space<vmem>>, vector<16xf32>,
      %add3A_117 = arith.constant 2 : i32
      %add3A_118 = arith.addi %add3A_61, %add3A_117 : i32
      %lt3A = arith.constant 16 : i32
      %lt3A_119 = arith.cmpi slt, %add3A_118, %lt3A : i32
      %convert_element_type3A = arith.extui %lt3A_119 : i1 to i32
      %cond3A = arith.constant 0 : i32
      %cond3A_120 = arith.cmpi ne, %convert_element_type3A, %cond3A : i32
      scf.if %cond3A_120 {
        %add3A_194 = arith.constant 2 : i32
        %add3A_195 = arith.addi %add3A_61, %add3A_194 : i32
        %mul3A_196 = arith.constant 32 : i32
        %mul3A_197 = arith.muli %add3A_195, %mul3A_196 : i32
        %add3A_198 = arith.addi %mul3A_2, %mul3A_197 : i32
        %dma_start3A_199 = arith.constant 0 : i32
        %dma_start3A_200 = arith.constant 0 : i32
        %dma_start3A_201 = tpu.memref_slice %arg2[%add3A_198, %dma_start3A_200] : memref<16384x1000xf32, #tpu.memory_space<hbm>> -> memref<32x1000xf32, #tpu.memory_space<hbm>>
        %dma_start3A_202 = tpu.memref_slice %arg11[%dma_start3A_199] : memref<2x!tpu.dma_semaphore, #tpu.memory_space<semaphore_mem>> -> memref<1x!tpu.dma_semaphore, #tpu.memory_space<semaphore_mem>>
        %dma_start3A_203 = tpu.memref_squeeze %dma_start3A_202 : memref<1x!tpu.dma_semaphore, #tpu.memory_space<semaphore_mem>> -> memref<!tpu.dma_semaphore, #tpu.memory_space<semaphore_mem>>
        %dma_start3A_204 = arith.constant 0 : i32
        %dma_start3A_205 = tpu.memref_slice %arg2[%add3A_198, %dma_start3A_204] : memref<16384x1000xf32, #tpu.memory_space<hbm>> -> memref<32x1000xf32, #tpu.memory_space<hbm>>
        tpu.enqueue_dma source(%dma_start3A_205 : memref<32x1000xf32, #tpu.memory_space<hbm>>) target(%arg6 : memref<32x1000xf32, #tpu.memory_space<vmem>>) target_semaphore(%dma_start3A_203 : memref<!tpu.dma_semaphore, #tpu.memory_space<semaphore_mem>>)
      } else {
      }
      %mul3A_121 = arith.constant 2 : i32
      %mul3A_122 = arith.muli %mul3A_121, %scan3A_57 : i32
      %add3A_123 = arith.constant 1 : i32
      %add3A_124 = arith.addi %mul3A_122, %add3A_123 : i32
      %mul3A_125 = arith.constant 32 : i32
      %mul3A_126 = arith.muli %add3A_124, %mul3A_125 : i32
      %add3A_127 = arith.addi %mul3A_2, %mul3A_126 : i32
      %dma_wait3A_128 = arith.constant 1 : i32
      %dma_wait3A_129 = arith.constant 0 : i32
      %dma_wait3A_130 = tpu.memref_slice %arg2[%add3A_127, %dma_wait3A_129] : memref<16384x1000xf32, #tpu.memory_space<hbm>> -> memref<32x1000xf32, #tpu.memory_space<hbm>>
      %dma_wait3A_131 = tpu.memref_slice %arg11[%dma_wait3A_128] : memref<2x!tpu.dma_semaphore, #tpu.memory_space<semaphore_mem>> -> memref<1x!tpu.dma_semaphore, #tpu.memory_space<semaphore_mem>>
      %dma_wait3A_132 = tpu.memref_squeeze %dma_wait3A_131 : memref<1x!tpu.dma_semaphore, #tpu.memory_space<semaphore_mem>> -> memref<!tpu.dma_semaphore, #tpu.memory_space<semaphore_mem>>
      %dma_wait3A_133 = arith.constant 0 : i32
      %dma_wait3A_134 = tpu.memref_slice %arg2[%add3A_127, %dma_wait3A_133] : memref<16384x1000xf32, #tpu.memory_space<hbm>> -> memref<32x1000xf32, #tpu.memory_space<hbm>>
      tpu.wait_dma2 semaphore(%dma_wait3A_132 : memref<!tpu.dma_semaphore, #tpu.memory_space<semaphore_mem>>) src(%dma_wait3A_134 : memref<32x1000xf32, #tpu.memory_space<hbm>>) dst(%arg7 : memref<32x1000xf32, #tpu.memory_space<vmem>>)
      %broadcast_in_dim3A_135 = arith.constant 0 : i32
      %broadcast_in_dim3A_136 = vector.broadcast %broadcast_in_dim3A_135 : i32 to vector<16xi32>
      %add3A_137 = arith.addi %broadcast_in_dim3A_136, %iota3A : vector<16xi32>
      %broadcast_in_dim3A_138 = arith.constant 0xFF800000 : f32
      %broadcast_in_dim3A_139 = vector.broadcast %broadcast_in_dim3A_138 : f32 to vector<16xf32>
      %get3A_140 = arith.constant 0 : i32
      %get3A_141 = arith.index_cast %get3A_140 : i32 to index
      %get3A_142 = arith.constant 0 : index
      %get3A_143 = tpu.vector_load %arg7[%get3A_141, %get3A_142] {strides = array<i32>} : memref<32x1000xf32, #tpu.memory_space<vmem>>, vector<16xf32>,
      %mul3A_144 = arith.constant 32 : i32
      %mul3A_145 = arith.muli %add3A_124, %mul3A_144 : i32
      %add3A_146 = arith.constant 0 : i32
      %add3A_147 = arith.addi %mul3A_145, %add3A_146 : i32
      %get3A_148 = arith.index_cast %add3A_147 : i32 to index
      %get3A_149 = tpu.vector_load %arg8[%get3A_148] {strides = array<i32>} : memref<512xi32, #tpu.memory_space<vmem>>, vector<16xi32>,
      %gather3A_150 = tpu.vector_load_idx %arg7[%add3A_137, %get3A_149] : memref<32x1000xf32, #tpu.memory_space<vmem>>[vector<16xi32>, vector<16xi32>], vector<16xf32>,
      %eq3A_151 = arith.cmpf oeq, %gather3A_150, %get3A_143 : vector<16xf32>
      %jit3A_152 = arith.constant 1.000000e+00 : f32
      %jit3A_153 = arith.constant 0.000000e+00 : f32
      %broadcast_in_dim3A_154 = vector.broadcast %jit3A_152 : f32 to vector<16xf32>
      %broadcast_in_dim3A_155 = vector.broadcast %jit3A_153 : f32 to vector<16xf32>
      %select_n3A_156 = arith.select %eq3A_151, %broadcast_in_dim3A_154, %broadcast_in_dim3A_155 : vector<16xi1>, vector<16xf32>
      %swap3A_157 = arith.index_cast %add3A_147 : i32 to index
      %swap3A_158 = tpu.vector_load %arg9[%swap3A_157] {strides = array<i32>} : memref<512xf32, #tpu.memory_space<vmem>>, vector<16xf32>,
      tpu.vector_store %arg9[%swap3A_157], %get3A_143 {strides = array<i32>} : memref<512xf32, #tpu.memory_space<vmem>>, vector<16xf32>,
      %swap3A_159 = arith.index_cast %add3A_147 : i32 to index
      %swap3A_160 = tpu.vector_load %arg10[%swap3A_159] {strides = array<i32>} : memref<512xf32, #tpu.memory_space<vmem>>, vector<16xf32>,
      tpu.vector_store %arg10[%swap3A_159], %select_n3A_156 {strides = array<i32>} : memref<512xf32, #tpu.memory_space<vmem>>, vector<16xf32>,
      %broadcast_in_dim3A_161 = arith.constant 16 : i32
      %broadcast_in_dim3A_162 = vector.broadcast %broadcast_in_dim3A_161 : i32 to vector<16xi32>
      %add3A_163 = arith.addi %broadcast_in_dim3A_162, %iota3A : vector<16xi32>
      %broadcast_in_dim3A_164 = arith.constant 0xFF800000 : f32
      %broadcast_in_dim3A_165 = vector.broadcast %broadcast_in_dim3A_164 : f32 to vector<16xf32>
      %get3A_166 = arith.constant 1 : i32
      %get3A_167 = arith.index_cast %get3A_166 : i32 to index
      %get3A_168 = arith.constant 0 : index
      %get3A_169 = tpu.vector_load %arg7[%get3A_167, %get3A_168] {strides = array<i32>} : memref<32x1000xf32, #tpu.memory_space<vmem>>, vector<16xf32>,
      %mul3A_170 = arith.constant 32 : i32
      %mul3A_171 = arith.muli %add3A_124, %mul3A_170 : i32
      %add3A_172 = arith.constant 16 : i32
      %add3A_173 = arith.addi %mul3A_171, %add3A_172 : i32
      %get3A_174 = arith.index_cast %add3A_173 : i32 to index
      %get3A_175 = tpu.vector_load %arg8[%get3A_174] {strides = array<i32>} : memref<512xi32, #tpu.memory_space<vmem>>, vector<16xi32>,
      %gather3A_176 = tpu.vector_load_idx %arg7[%add3A_163, %get3A_175] : memref<32x1000xf32, #tpu.memory_space<vmem>>[vector<16xi32>, vector<16xi32>], vector<16xf32>,
      %eq3A_177 = arith.cmpf oeq, %gather3A_176, %get3A_169 : vector<16xf32>
      %jit3A_178 = arith.constant 1.000000e+00 : f32
      %jit3A_179 = arith.constant 0.000000e+00 : f32
      %broadcast_in_dim3A_180 = vector.broadcast %jit3A_178 : f32 to vector<16xf32>
      %broadcast_in_dim3A_181 = vector.broadcast %jit3A_179 : f32 to vector<16xf32>
      %select_n3A_182 = arith.select %eq3A_177, %broadcast_in_dim3A_180, %broadcast_in_dim3A_181 : vector<16xi1>, vector<16xf32>
      %swap3A_183 = arith.index_cast %add3A_173 : i32 to index
      %swap3A_184 = tpu.vector_load %arg9[%swap3A_183] {strides = array<i32>} : memref<512xf32, #tpu.memory_space<vmem>>, vector<16xf32>,
      tpu.vector_store %arg9[%swap3A_183], %get3A_169 {strides = array<i32>} : memref<512xf32, #tpu.memory_space<vmem>>, vector<16xf32>,
      %swap3A_185 = arith.index_cast %add3A_173 : i32 to index
      %swap3A_186 = tpu.vector_load %arg10[%swap3A_185] {strides = array<i32>} : memref<512xf32, #tpu.memory_space<vmem>>, vector<16xf32>,
      tpu.vector_store %arg10[%swap3A_185], %select_n3A_182 {strides = array<i32>} : memref<512xf32, #tpu.memory_space<vmem>>, vector<16xf32>,
      %add3A_187 = arith.constant 2 : i32
      %add3A_188 = arith.addi %add3A_124, %add3A_187 : i32
      %lt3A_189 = arith.constant 16 : i32
      %lt3A_190 = arith.cmpi slt, %add3A_188, %lt3A_189 : i32
      %convert_element_type3A_191 = arith.extui %lt3A_190 : i1 to i32
      %cond3A_192 = arith.constant 0 : i32
      %cond3A_193 = arith.cmpi ne, %convert_element_type3A_191, %cond3A_192 : i32
      scf.if %cond3A_193 {
        %add3A_194 = arith.constant 2 : i32
        %add3A_195 = arith.addi %add3A_124, %add3A_194 : i32
        %mul3A_196 = arith.constant 32 : i32
        %mul3A_197 = arith.muli %add3A_195, %mul3A_196 : i32
        %add3A_198 = arith.addi %mul3A_2, %mul3A_197 : i32
        %dma_start3A_199 = arith.constant 1 : i32
        %dma_start3A_200 = arith.constant 0 : i32
        %dma_start3A_201 = tpu.memref_slice %arg2[%add3A_198, %dma_start3A_200] : memref<16384x1000xf32, #tpu.memory_space<hbm>> -> memref<32x1000xf32, #tpu.memory_space<hbm>>
        %dma_start3A_202 = tpu.memref_slice %arg11[%dma_start3A_199] : memref<2x!tpu.dma_semaphore, #tpu.memory_space<semaphore_mem>> -> memref<1x!tpu.dma_semaphore, #tpu.memory_space<semaphore_mem>>
        %dma_start3A_203 = tpu.memref_squeeze %dma_start3A_202 : memref<1x!tpu.dma_semaphore, #tpu.memory_space<semaphore_mem>> -> memref<!tpu.dma_semaphore, #tpu.memory_space<semaphore_mem>>
        %dma_start3A_204 = arith.constant 0 : i32
        %dma_start3A_205 = tpu.memref_slice %arg2[%add3A_198, %dma_start3A_204] : memref<16384x1000xf32, #tpu.memory_space<hbm>> -> memref<32x1000xf32, #tpu.memory_space<hbm>>
        tpu.enqueue_dma source(%dma_start3A_205 : memref<32x1000xf32, #tpu.memory_space<hbm>>) target(%arg7 : memref<32x1000xf32, #tpu.memory_space<vmem>>) target_semaphore(%dma_start3A_203 : memref<!tpu.dma_semaphore, #tpu.memory_space<semaphore_mem>>)
      } else {
      }
    }
    %scan3A_36 = arith.constant 8 : i32
    %dma_start3A_37 = arith.constant 0 : i32
    %dma_start3A_38 = tpu.memref_slice %arg4[%mul3A_2] : memref<16384xf32, #tpu.memory_space<hbm>> -> memref<512xf32, #tpu.memory_space<hbm>>
    %dma_start3A_39 = tpu.memref_slice %arg11[%dma_start3A_37] : memref<2x!tpu.dma_semaphore, #tpu.memory_space<semaphore_mem>> -> memref<1x!tpu.dma_semaphore, #tpu.memory_space<semaphore_mem>>
    %dma_start3A_40 = tpu.memref_squeeze %dma_start3A_39 : memref<1x!tpu.dma_semaphore, #tpu.memory_space<semaphore_mem>> -> memref<!tpu.dma_semaphore, #tpu.memory_space<semaphore_mem>>
    %dma_start3A_41 = tpu.memref_slice %arg4[%mul3A_2] : memref<16384xf32, #tpu.memory_space<hbm>> -> memref<512xf32, #tpu.memory_space<hbm>>
    tpu.enqueue_dma source(%arg9 : memref<512xf32, #tpu.memory_space<vmem>>) target(%dma_start3A_41 : memref<512xf32, #tpu.memory_space<hbm>>) target_semaphore(%dma_start3A_40 : memref<!tpu.dma_semaphore, #tpu.memory_space<semaphore_mem>>)
    %dma_wait3A_42 = arith.constant 0 : i32
    %dma_wait3A_43 = tpu.memref_slice %arg4[%mul3A_2] : memref<16384xf32, #tpu.memory_space<hbm>> -> memref<512xf32, #tpu.memory_space<hbm>>
    %dma_wait3A_44 = tpu.memref_slice %arg11[%dma_wait3A_42] : memref<2x!tpu.dma_semaphore, #tpu.memory_space<semaphore_mem>> -> memref<1x!tpu.dma_semaphore, #tpu.memory_space<semaphore_mem>>
    %dma_wait3A_45 = tpu.memref_squeeze %dma_wait3A_44 : memref<1x!tpu.dma_semaphore, #tpu.memory_space<semaphore_mem>> -> memref<!tpu.dma_semaphore, #tpu.memory_space<semaphore_mem>>
    %dma_wait3A_46 = tpu.memref_slice %arg4[%mul3A_2] : memref<16384xf32, #tpu.memory_space<hbm>> -> memref<512xf32, #tpu.memory_space<hbm>>
    tpu.wait_dma2 semaphore(%dma_wait3A_45 : memref<!tpu.dma_semaphore, #tpu.memory_space<semaphore_mem>>) src(%arg9 : memref<512xf32, #tpu.memory_space<vmem>>) dst(%dma_wait3A_46 : memref<512xf32, #tpu.memory_space<hbm>>)
    %dma_start3A_47 = arith.constant 0 : i32
    %dma_start3A_48 = tpu.memref_slice %arg5[%mul3A_2] : memref<16384xf32, #tpu.memory_space<hbm>> -> memref<512xf32, #tpu.memory_space<hbm>>
    %dma_start3A_49 = tpu.memref_slice %arg11[%dma_start3A_47] : memref<2x!tpu.dma_semaphore, #tpu.memory_space<semaphore_mem>> -> memref<1x!tpu.dma_semaphore, #tpu.memory_space<semaphore_mem>>
    %dma_start3A_50 = tpu.memref_squeeze %dma_start3A_49 : memref<1x!tpu.dma_semaphore, #tpu.memory_space<semaphore_mem>> -> memref<!tpu.dma_semaphore, #tpu.memory_space<semaphore_mem>>
    %dma_start3A_51 = tpu.memref_slice %arg5[%mul3A_2] : memref<16384xf32, #tpu.memory_space<hbm>> -> memref<512xf32, #tpu.memory_space<hbm>>
    tpu.enqueue_dma source(%arg10 : memref<512xf32, #tpu.memory_space<vmem>>) target(%dma_start3A_51 : memref<512xf32, #tpu.memory_space<hbm>>) target_semaphore(%dma_start3A_50 : memref<!tpu.dma_semaphore, #tpu.memory_space<semaphore_mem>>)
    %dma_wait3A_52 = arith.constant 0 : i32
    %dma_wait3A_53 = tpu.memref_slice %arg5[%mul3A_2] : memref<16384xf32, #tpu.memory_space<hbm>> -> memref<512xf32, #tpu.memory_space<hbm>>
    %dma_wait3A_54 = tpu.memref_slice %arg11[%dma_wait3A_52] : memref<2x!tpu.dma_semaphore, #tpu.memory_space<semaphore_mem>> -> memref<1x!tpu.dma_semaphore, #tpu.memory_space<semaphore_mem>>
    %dma_wait3A_55 = tpu.memref_squeeze %dma_wait3A_54 : memref<1x!tpu.dma_semaphore, #tpu.memory_space<semaphore_mem>> -> memref<!tpu.dma_semaphore, #tpu.memory_space<semaphore_mem>>
    %dma_wait3A_56 = tpu.memref_slice %arg5[%mul3A_2] : memref<16384xf32, #tpu.memory_space<hbm>> -> memref<512xf32, #tpu.memory_space<hbm>>
    tpu.wait_dma2 semaphore(%dma_wait3A_55 : memref<!tpu.dma_semaphore, #tpu.memory_space<semaphore_mem>>) src(%arg10 : memref<512xf32, #tpu.memory_space<vmem>>) dst(%dma_wait3A_56 : memref<512xf32, #tpu.memory_space<hbm>>)
    return
  }
}

module attributes {stable_mosaic.version = 14 : i64} {
  func.func @_ce_finish_kernel(%arg0: memref<11xf32, #tpu.memory_space<smem>>, %arg1: memref<128x128xf32, #tpu.memory_space<vmem>>, %arg2: memref<128x128xf32, #tpu.memory_space<vmem>>, %arg3: memref<1x1xf32, #tpu.memory_space<vmem>>) attributes {dimension_semantics = [], scalar_prefetch = 0 : i64, scratch_operands = 0 : i64, tpu.core_type = #tpu.core_type<tc>} {
    %get3A = arith.constant 0 : index
    %get3A_0 = arith.constant 0 : index
    %get3A_1 = vector.load %arg1[%get3A, %get3A_0] : memref<128x128xf32, #tpu.memory_space<vmem>>, vector<128x128xf32>
    %get3A_2 = arith.constant 0 : index
    %get3A_3 = arith.constant 0 : index
    %get3A_4 = vector.load %arg2[%get3A_2, %get3A_3] : memref<128x128xf32, #tpu.memory_space<vmem>>, vector<128x128xf32>
    %get3A_5 = arith.constant 0 : index
    %get3A_6 = memref.load %arg0[%get3A_5] : memref<11xf32, #tpu.memory_space<smem>>
    %get3A_7 = arith.constant 1 : index
    %get3A_8 = memref.load %arg0[%get3A_7] : memref<11xf32, #tpu.memory_space<smem>>
    %get3A_9 = arith.constant 2 : index
    %get3A_10 = memref.load %arg0[%get3A_9] : memref<11xf32, #tpu.memory_space<smem>>
    %get3A_11 = arith.constant 3 : index
    %get3A_12 = memref.load %arg0[%get3A_11] : memref<11xf32, #tpu.memory_space<smem>>
    %get3A_13 = arith.constant 4 : index
    %get3A_14 = memref.load %arg0[%get3A_13] : memref<11xf32, #tpu.memory_space<smem>>
    %get3A_15 = arith.constant 5 : index
    %get3A_16 = memref.load %arg0[%get3A_15] : memref<11xf32, #tpu.memory_space<smem>>
    %get3A_17 = arith.constant 6 : index
    %get3A_18 = memref.load %arg0[%get3A_17] : memref<11xf32, #tpu.memory_space<smem>>
    %get3A_19 = arith.constant 7 : index
    %get3A_20 = memref.load %arg0[%get3A_19] : memref<11xf32, #tpu.memory_space<smem>>
    %get3A_21 = arith.constant 8 : index
    %get3A_22 = memref.load %arg0[%get3A_21] : memref<11xf32, #tpu.memory_space<smem>>
    %get3A_23 = arith.constant 9 : index
    %get3A_24 = memref.load %arg0[%get3A_23] : memref<11xf32, #tpu.memory_space<smem>>
    %get3A_25 = arith.constant 10 : index
    %get3A_26 = memref.load %arg0[%get3A_25] : memref<11xf32, #tpu.memory_space<smem>>
    %gt3A = vector.broadcast %get3A_6 : f32 to vector<128x128xf32>
    %gt3A_27 = arith.cmpf ogt, %get3A_1, %gt3A : vector<128x128xf32>
    %le3A = vector.broadcast %get3A_8 : f32 to vector<128x128xf32>
    %le3A_28 = arith.cmpf ole, %get3A_1, %le3A : vector<128x128xf32>
    %and3A = arith.andi %gt3A_27, %le3A_28 : vector<128x128xi1>
    %convert_element_type3A = arith.extui %and3A : vector<128x128xi1> to vector<128x128xi32>
    %convert_element_type3A_29 = arith.sitofp %convert_element_type3A : vector<128x128xi32> to vector<128x128xf32>
    %reduce_sum3A = vector.shape_cast %convert_element_type3A_29 : vector<128x128xf32> to vector<1x128x128xf32>
    %reduce_sum3A_30 = arith.constant dense<0.000000e+00> : vector<1xf32>
    %reduce_sum3A_31 = vector.multi_reduction <add>, %reduce_sum3A, %reduce_sum3A_30 [1, 2] : vector<1x128x128xf32> to vector<1xf32>
    %reduce_sum3A_32 = vector.shape_cast %reduce_sum3A_31 : vector<1xf32> to vector<1x1x1xf32>
    %reduce_sum3A_33 = vector.extract %reduce_sum3A_32[0, 0, 0] : f32 from vector<1x1x1xf32>
    %mul3A = arith.mulf %convert_element_type3A_29, %get3A_1 : vector<128x128xf32>
    %reduce_sum3A_34 = vector.shape_cast %mul3A : vector<128x128xf32> to vector<1x128x128xf32>
    %reduce_sum3A_35 = arith.constant dense<0.000000e+00> : vector<1xf32>
    %reduce_sum3A_36 = vector.multi_reduction <add>, %reduce_sum3A_34, %reduce_sum3A_35 [1, 2] : vector<1x128x128xf32> to vector<1xf32>
    %reduce_sum3A_37 = vector.shape_cast %reduce_sum3A_36 : vector<1xf32> to vector<1x1x1xf32>
    %reduce_sum3A_38 = vector.extract %reduce_sum3A_37[0, 0, 0] : f32 from vector<1x1x1xf32>
    %mul3A_39 = arith.mulf %convert_element_type3A_29, %get3A_4 : vector<128x128xf32>
    %reduce_sum3A_40 = vector.shape_cast %mul3A_39 : vector<128x128xf32> to vector<1x128x128xf32>
    %reduce_sum3A_41 = arith.constant dense<0.000000e+00> : vector<1xf32>
    %reduce_sum3A_42 = vector.multi_reduction <add>, %reduce_sum3A_40, %reduce_sum3A_41 [1, 2] : vector<1x128x128xf32> to vector<1xf32>
    %reduce_sum3A_43 = vector.shape_cast %reduce_sum3A_42 : vector<1xf32> to vector<1x1x1xf32>
    %reduce_sum3A_44 = vector.extract %reduce_sum3A_43[0, 0, 0] : f32 from vector<1x1x1xf32>
    %add3A = arith.constant 0.000000e+00 : f32
    %add3A_45 = arith.addf %add3A, %reduce_sum3A_33 : f32
    %gt3A_46 = vector.broadcast %get3A_8 : f32 to vector<128x128xf32>
    %gt3A_47 = arith.cmpf ogt, %get3A_1, %gt3A_46 : vector<128x128xf32>
    %le3A_48 = vector.broadcast %get3A_10 : f32 to vector<128x128xf32>
    %le3A_49 = arith.cmpf ole, %get3A_1, %le3A_48 : vector<128x128xf32>
    %and3A_50 = arith.andi %gt3A_47, %le3A_49 : vector<128x128xi1>
    %convert_element_type3A_51 = arith.extui %and3A_50 : vector<128x128xi1> to vector<128x128xi32>
    %convert_element_type3A_52 = arith.sitofp %convert_element_type3A_51 : vector<128x128xi32> to vector<128x128xf32>
    %reduce_sum3A_53 = vector.shape_cast %convert_element_type3A_52 : vector<128x128xf32> to vector<1x128x128xf32>
    %reduce_sum3A_54 = arith.constant dense<0.000000e+00> : vector<1xf32>
    %reduce_sum3A_55 = vector.multi_reduction <add>, %reduce_sum3A_53, %reduce_sum3A_54 [1, 2] : vector<1x128x128xf32> to vector<1xf32>
    %reduce_sum3A_56 = vector.shape_cast %reduce_sum3A_55 : vector<1xf32> to vector<1x1x1xf32>
    %reduce_sum3A_57 = vector.extract %reduce_sum3A_56[0, 0, 0] : f32 from vector<1x1x1xf32>
    %mul3A_58 = arith.mulf %convert_element_type3A_52, %get3A_1 : vector<128x128xf32>
    %reduce_sum3A_59 = vector.shape_cast %mul3A_58 : vector<128x128xf32> to vector<1x128x128xf32>
    %reduce_sum3A_60 = arith.constant dense<0.000000e+00> : vector<1xf32>
    %reduce_sum3A_61 = vector.multi_reduction <add>, %reduce_sum3A_59, %reduce_sum3A_60 [1, 2] : vector<1x128x128xf32> to vector<1xf32>
    %reduce_sum3A_62 = vector.shape_cast %reduce_sum3A_61 : vector<1xf32> to vector<1x1x1xf32>
    %reduce_sum3A_63 = vector.extract %reduce_sum3A_62[0, 0, 0] : f32 from vector<1x1x1xf32>
    %mul3A_64 = arith.mulf %convert_element_type3A_52, %get3A_4 : vector<128x128xf32>
    %reduce_sum3A_65 = vector.shape_cast %mul3A_64 : vector<128x128xf32> to vector<1x128x128xf32>
    %reduce_sum3A_66 = arith.constant dense<0.000000e+00> : vector<1xf32>
    %reduce_sum3A_67 = vector.multi_reduction <add>, %reduce_sum3A_65, %reduce_sum3A_66 [1, 2] : vector<1x128x128xf32> to vector<1xf32>
    %reduce_sum3A_68 = vector.shape_cast %reduce_sum3A_67 : vector<1xf32> to vector<1x1x1xf32>
    %reduce_sum3A_69 = vector.extract %reduce_sum3A_68[0, 0, 0] : f32 from vector<1x1x1xf32>
    %add3A_70 = arith.addf %add3A_45, %reduce_sum3A_57 : f32
    %gt3A_71 = vector.broadcast %get3A_10 : f32 to vector<128x128xf32>
    %gt3A_72 = arith.cmpf ogt, %get3A_1, %gt3A_71 : vector<128x128xf32>
    %le3A_73 = vector.broadcast %get3A_12 : f32 to vector<128x128xf32>
    %le3A_74 = arith.cmpf ole, %get3A_1, %le3A_73 : vector<128x128xf32>
    %and3A_75 = arith.andi %gt3A_72, %le3A_74 : vector<128x128xi1>
    %convert_element_type3A_76 = arith.extui %and3A_75 : vector<128x128xi1> to vector<128x128xi32>
    %convert_element_type3A_77 = arith.sitofp %convert_element_type3A_76 : vector<128x128xi32> to vector<128x128xf32>
    %reduce_sum3A_78 = vector.shape_cast %convert_element_type3A_77 : vector<128x128xf32> to vector<1x128x128xf32>
    %reduce_sum3A_79 = arith.constant dense<0.000000e+00> : vector<1xf32>
    %reduce_sum3A_80 = vector.multi_reduction <add>, %reduce_sum3A_78, %reduce_sum3A_79 [1, 2] : vector<1x128x128xf32> to vector<1xf32>
    %reduce_sum3A_81 = vector.shape_cast %reduce_sum3A_80 : vector<1xf32> to vector<1x1x1xf32>
    %reduce_sum3A_82 = vector.extract %reduce_sum3A_81[0, 0, 0] : f32 from vector<1x1x1xf32>
    %mul3A_83 = arith.mulf %convert_element_type3A_77, %get3A_1 : vector<128x128xf32>
    %reduce_sum3A_84 = vector.shape_cast %mul3A_83 : vector<128x128xf32> to vector<1x128x128xf32>
    %reduce_sum3A_85 = arith.constant dense<0.000000e+00> : vector<1xf32>
    %reduce_sum3A_86 = vector.multi_reduction <add>, %reduce_sum3A_84, %reduce_sum3A_85 [1, 2] : vector<1x128x128xf32> to vector<1xf32>
    %reduce_sum3A_87 = vector.shape_cast %reduce_sum3A_86 : vector<1xf32> to vector<1x1x1xf32>
    %reduce_sum3A_88 = vector.extract %reduce_sum3A_87[0, 0, 0] : f32 from vector<1x1x1xf32>
    %mul3A_89 = arith.mulf %convert_element_type3A_77, %get3A_4 : vector<128x128xf32>
    %reduce_sum3A_90 = vector.shape_cast %mul3A_89 : vector<128x128xf32> to vector<1x128x128xf32>
    %reduce_sum3A_91 = arith.constant dense<0.000000e+00> : vector<1xf32>
    %reduce_sum3A_92 = vector.multi_reduction <add>, %reduce_sum3A_90, %reduce_sum3A_91 [1, 2] : vector<1x128x128xf32> to vector<1xf32>
    %reduce_sum3A_93 = vector.shape_cast %reduce_sum3A_92 : vector<1xf32> to vector<1x1x1xf32>
    %reduce_sum3A_94 = vector.extract %reduce_sum3A_93[0, 0, 0] : f32 from vector<1x1x1xf32>
    %add3A_95 = arith.addf %add3A_70, %reduce_sum3A_82 : f32
    %gt3A_96 = vector.broadcast %get3A_12 : f32 to vector<128x128xf32>
    %gt3A_97 = arith.cmpf ogt, %get3A_1, %gt3A_96 : vector<128x128xf32>
    %le3A_98 = vector.broadcast %get3A_14 : f32 to vector<128x128xf32>
    %le3A_99 = arith.cmpf ole, %get3A_1, %le3A_98 : vector<128x128xf32>
    %and3A_100 = arith.andi %gt3A_97, %le3A_99 : vector<128x128xi1>
    %convert_element_type3A_101 = arith.extui %and3A_100 : vector<128x128xi1> to vector<128x128xi32>
    %convert_element_type3A_102 = arith.sitofp %convert_element_type3A_101 : vector<128x128xi32> to vector<128x128xf32>
    %reduce_sum3A_103 = vector.shape_cast %convert_element_type3A_102 : vector<128x128xf32> to vector<1x128x128xf32>
    %reduce_sum3A_104 = arith.constant dense<0.000000e+00> : vector<1xf32>
    %reduce_sum3A_105 = vector.multi_reduction <add>, %reduce_sum3A_103, %reduce_sum3A_104 [1, 2] : vector<1x128x128xf32> to vector<1xf32>
    %reduce_sum3A_106 = vector.shape_cast %reduce_sum3A_105 : vector<1xf32> to vector<1x1x1xf32>
    %reduce_sum3A_107 = vector.extract %reduce_sum3A_106[0, 0, 0] : f32 from vector<1x1x1xf32>
    %mul3A_108 = arith.mulf %convert_element_type3A_102, %get3A_1 : vector<128x128xf32>
    %reduce_sum3A_109 = vector.shape_cast %mul3A_108 : vector<128x128xf32> to vector<1x128x128xf32>
    %reduce_sum3A_110 = arith.constant dense<0.000000e+00> : vector<1xf32>
    %reduce_sum3A_111 = vector.multi_reduction <add>, %reduce_sum3A_109, %reduce_sum3A_110 [1, 2] : vector<1x128x128xf32> to vector<1xf32>
    %reduce_sum3A_112 = vector.shape_cast %reduce_sum3A_111 : vector<1xf32> to vector<1x1x1xf32>
    %reduce_sum3A_113 = vector.extract %reduce_sum3A_112[0, 0, 0] : f32 from vector<1x1x1xf32>
    %mul3A_114 = arith.mulf %convert_element_type3A_102, %get3A_4 : vector<128x128xf32>
    %reduce_sum3A_115 = vector.shape_cast %mul3A_114 : vector<128x128xf32> to vector<1x128x128xf32>
    %reduce_sum3A_116 = arith.constant dense<0.000000e+00> : vector<1xf32>
    %reduce_sum3A_117 = vector.multi_reduction <add>, %reduce_sum3A_115, %reduce_sum3A_116 [1, 2] : vector<1x128x128xf32> to vector<1xf32>
    %reduce_sum3A_118 = vector.shape_cast %reduce_sum3A_117 : vector<1xf32> to vector<1x1x1xf32>
    %reduce_sum3A_119 = vector.extract %reduce_sum3A_118[0, 0, 0] : f32 from vector<1x1x1xf32>
    %add3A_120 = arith.addf %add3A_95, %reduce_sum3A_107 : f32
    %gt3A_121 = vector.broadcast %get3A_14 : f32 to vector<128x128xf32>
    %gt3A_122 = arith.cmpf ogt, %get3A_1, %gt3A_121 : vector<128x128xf32>
    %le3A_123 = vector.broadcast %get3A_16 : f32 to vector<128x128xf32>
    %le3A_124 = arith.cmpf ole, %get3A_1, %le3A_123 : vector<128x128xf32>
    %and3A_125 = arith.andi %gt3A_122, %le3A_124 : vector<128x128xi1>
    %convert_element_type3A_126 = arith.extui %and3A_125 : vector<128x128xi1> to vector<128x128xi32>
    %convert_element_type3A_127 = arith.sitofp %convert_element_type3A_126 : vector<128x128xi32> to vector<128x128xf32>
    %reduce_sum3A_128 = vector.shape_cast %convert_element_type3A_127 : vector<128x128xf32> to vector<1x128x128xf32>
    %reduce_sum3A_129 = arith.constant dense<0.000000e+00> : vector<1xf32>
    %reduce_sum3A_130 = vector.multi_reduction <add>, %reduce_sum3A_128, %reduce_sum3A_129 [1, 2] : vector<1x128x128xf32> to vector<1xf32>
    %reduce_sum3A_131 = vector.shape_cast %reduce_sum3A_130 : vector<1xf32> to vector<1x1x1xf32>
    %reduce_sum3A_132 = vector.extract %reduce_sum3A_131[0, 0, 0] : f32 from vector<1x1x1xf32>
    %mul3A_133 = arith.mulf %convert_element_type3A_127, %get3A_1 : vector<128x128xf32>
    %reduce_sum3A_134 = vector.shape_cast %mul3A_133 : vector<128x128xf32> to vector<1x128x128xf32>
    %reduce_sum3A_135 = arith.constant dense<0.000000e+00> : vector<1xf32>
    %reduce_sum3A_136 = vector.multi_reduction <add>, %reduce_sum3A_134, %reduce_sum3A_135 [1, 2] : vector<1x128x128xf32> to vector<1xf32>
    %reduce_sum3A_137 = vector.shape_cast %reduce_sum3A_136 : vector<1xf32> to vector<1x1x1xf32>
    %reduce_sum3A_138 = vector.extract %reduce_sum3A_137[0, 0, 0] : f32 from vector<1x1x1xf32>
    %mul3A_139 = arith.mulf %convert_element_type3A_127, %get3A_4 : vector<128x128xf32>
    %reduce_sum3A_140 = vector.shape_cast %mul3A_139 : vector<128x128xf32> to vector<1x128x128xf32>
    %reduce_sum3A_141 = arith.constant dense<0.000000e+00> : vector<1xf32>
    %reduce_sum3A_142 = vector.multi_reduction <add>, %reduce_sum3A_140, %reduce_sum3A_141 [1, 2] : vector<1x128x128xf32> to vector<1xf32>
    %reduce_sum3A_143 = vector.shape_cast %reduce_sum3A_142 : vector<1xf32> to vector<1x1x1xf32>
    %reduce_sum3A_144 = vector.extract %reduce_sum3A_143[0, 0, 0] : f32 from vector<1x1x1xf32>
    %add3A_145 = arith.addf %add3A_120, %reduce_sum3A_132 : f32
    %gt3A_146 = vector.broadcast %get3A_16 : f32 to vector<128x128xf32>
    %gt3A_147 = arith.cmpf ogt, %get3A_1, %gt3A_146 : vector<128x128xf32>
    %le3A_148 = vector.broadcast %get3A_18 : f32 to vector<128x128xf32>
    %le3A_149 = arith.cmpf ole, %get3A_1, %le3A_148 : vector<128x128xf32>
    %and3A_150 = arith.andi %gt3A_147, %le3A_149 : vector<128x128xi1>
    %convert_element_type3A_151 = arith.extui %and3A_150 : vector<128x128xi1> to vector<128x128xi32>
    %convert_element_type3A_152 = arith.sitofp %convert_element_type3A_151 : vector<128x128xi32> to vector<128x128xf32>
    %reduce_sum3A_153 = vector.shape_cast %convert_element_type3A_152 : vector<128x128xf32> to vector<1x128x128xf32>
    %reduce_sum3A_154 = arith.constant dense<0.000000e+00> : vector<1xf32>
    %reduce_sum3A_155 = vector.multi_reduction <add>, %reduce_sum3A_153, %reduce_sum3A_154 [1, 2] : vector<1x128x128xf32> to vector<1xf32>
    %reduce_sum3A_156 = vector.shape_cast %reduce_sum3A_155 : vector<1xf32> to vector<1x1x1xf32>
    %reduce_sum3A_157 = vector.extract %reduce_sum3A_156[0, 0, 0] : f32 from vector<1x1x1xf32>
    %mul3A_158 = arith.mulf %convert_element_type3A_152, %get3A_1 : vector<128x128xf32>
    %reduce_sum3A_159 = vector.shape_cast %mul3A_158 : vector<128x128xf32> to vector<1x128x128xf32>
    %reduce_sum3A_160 = arith.constant dense<0.000000e+00> : vector<1xf32>
    %reduce_sum3A_161 = vector.multi_reduction <add>, %reduce_sum3A_159, %reduce_sum3A_160 [1, 2] : vector<1x128x128xf32> to vector<1xf32>
    %reduce_sum3A_162 = vector.shape_cast %reduce_sum3A_161 : vector<1xf32> to vector<1x1x1xf32>
    %reduce_sum3A_163 = vector.extract %reduce_sum3A_162[0, 0, 0] : f32 from vector<1x1x1xf32>
    %mul3A_164 = arith.mulf %convert_element_type3A_152, %get3A_4 : vector<128x128xf32>
    %reduce_sum3A_165 = vector.shape_cast %mul3A_164 : vector<128x128xf32> to vector<1x128x128xf32>
    %reduce_sum3A_166 = arith.constant dense<0.000000e+00> : vector<1xf32>
    %reduce_sum3A_167 = vector.multi_reduction <add>, %reduce_sum3A_165, %reduce_sum3A_166 [1, 2] : vector<1x128x128xf32> to vector<1xf32>
    %reduce_sum3A_168 = vector.shape_cast %reduce_sum3A_167 : vector<1xf32> to vector<1x1x1xf32>
    %reduce_sum3A_169 = vector.extract %reduce_sum3A_168[0, 0, 0] : f32 from vector<1x1x1xf32>
    %add3A_170 = arith.addf %add3A_145, %reduce_sum3A_157 : f32
    %gt3A_171 = vector.broadcast %get3A_18 : f32 to vector<128x128xf32>
    %gt3A_172 = arith.cmpf ogt, %get3A_1, %gt3A_171 : vector<128x128xf32>
    %le3A_173 = vector.broadcast %get3A_20 : f32 to vector<128x128xf32>
    %le3A_174 = arith.cmpf ole, %get3A_1, %le3A_173 : vector<128x128xf32>
    %and3A_175 = arith.andi %gt3A_172, %le3A_174 : vector<128x128xi1>
    %convert_element_type3A_176 = arith.extui %and3A_175 : vector<128x128xi1> to vector<128x128xi32>
    %convert_element_type3A_177 = arith.sitofp %convert_element_type3A_176 : vector<128x128xi32> to vector<128x128xf32>
    %reduce_sum3A_178 = vector.shape_cast %convert_element_type3A_177 : vector<128x128xf32> to vector<1x128x128xf32>
    %reduce_sum3A_179 = arith.constant dense<0.000000e+00> : vector<1xf32>
    %reduce_sum3A_180 = vector.multi_reduction <add>, %reduce_sum3A_178, %reduce_sum3A_179 [1, 2] : vector<1x128x128xf32> to vector<1xf32>
    %reduce_sum3A_181 = vector.shape_cast %reduce_sum3A_180 : vector<1xf32> to vector<1x1x1xf32>
    %reduce_sum3A_182 = vector.extract %reduce_sum3A_181[0, 0, 0] : f32 from vector<1x1x1xf32>
    %mul3A_183 = arith.mulf %convert_element_type3A_177, %get3A_1 : vector<128x128xf32>
    %reduce_sum3A_184 = vector.shape_cast %mul3A_183 : vector<128x128xf32> to vector<1x128x128xf32>
    %reduce_sum3A_185 = arith.constant dense<0.000000e+00> : vector<1xf32>
    %reduce_sum3A_186 = vector.multi_reduction <add>, %reduce_sum3A_184, %reduce_sum3A_185 [1, 2] : vector<1x128x128xf32> to vector<1xf32>
    %reduce_sum3A_187 = vector.shape_cast %reduce_sum3A_186 : vector<1xf32> to vector<1x1x1xf32>
    %reduce_sum3A_188 = vector.extract %reduce_sum3A_187[0, 0, 0] : f32 from vector<1x1x1xf32>
    %mul3A_189 = arith.mulf %convert_element_type3A_177, %get3A_4 : vector<128x128xf32>
    %reduce_sum3A_190 = vector.shape_cast %mul3A_189 : vector<128x128xf32> to vector<1x128x128xf32>
    %reduce_sum3A_191 = arith.constant dense<0.000000e+00> : vector<1xf32>
    %reduce_sum3A_192 = vector.multi_reduction <add>, %reduce_sum3A_190, %reduce_sum3A_191 [1, 2] : vector<1x128x128xf32> to vector<1xf32>
    %reduce_sum3A_193 = vector.shape_cast %reduce_sum3A_192 : vector<1xf32> to vector<1x1x1xf32>
    %reduce_sum3A_194 = vector.extract %reduce_sum3A_193[0, 0, 0] : f32 from vector<1x1x1xf32>
    %add3A_195 = arith.addf %add3A_170, %reduce_sum3A_182 : f32
    %gt3A_196 = vector.broadcast %get3A_20 : f32 to vector<128x128xf32>
    %gt3A_197 = arith.cmpf ogt, %get3A_1, %gt3A_196 : vector<128x128xf32>
    %le3A_198 = vector.broadcast %get3A_22 : f32 to vector<128x128xf32>
    %le3A_199 = arith.cmpf ole, %get3A_1, %le3A_198 : vector<128x128xf32>
    %and3A_200 = arith.andi %gt3A_197, %le3A_199 : vector<128x128xi1>
    %convert_element_type3A_201 = arith.extui %and3A_200 : vector<128x128xi1> to vector<128x128xi32>
    %convert_element_type3A_202 = arith.sitofp %convert_element_type3A_201 : vector<128x128xi32> to vector<128x128xf32>
    %reduce_sum3A_203 = vector.shape_cast %convert_element_type3A_202 : vector<128x128xf32> to vector<1x128x128xf32>
    %reduce_sum3A_204 = arith.constant dense<0.000000e+00> : vector<1xf32>
    %reduce_sum3A_205 = vector.multi_reduction <add>, %reduce_sum3A_203, %reduce_sum3A_204 [1, 2] : vector<1x128x128xf32> to vector<1xf32>
    %reduce_sum3A_206 = vector.shape_cast %reduce_sum3A_205 : vector<1xf32> to vector<1x1x1xf32>
    %reduce_sum3A_207 = vector.extract %reduce_sum3A_206[0, 0, 0] : f32 from vector<1x1x1xf32>
    %mul3A_208 = arith.mulf %convert_element_type3A_202, %get3A_1 : vector<128x128xf32>
    %reduce_sum3A_209 = vector.shape_cast %mul3A_208 : vector<128x128xf32> to vector<1x128x128xf32>
    %reduce_sum3A_210 = arith.constant dense<0.000000e+00> : vector<1xf32>
    %reduce_sum3A_211 = vector.multi_reduction <add>, %reduce_sum3A_209, %reduce_sum3A_210 [1, 2] : vector<1x128x128xf32> to vector<1xf32>
    %reduce_sum3A_212 = vector.shape_cast %reduce_sum3A_211 : vector<1xf32> to vector<1x1x1xf32>
    %reduce_sum3A_213 = vector.extract %reduce_sum3A_212[0, 0, 0] : f32 from vector<1x1x1xf32>
    %mul3A_214 = arith.mulf %convert_element_type3A_202, %get3A_4 : vector<128x128xf32>
    %reduce_sum3A_215 = vector.shape_cast %mul3A_214 : vector<128x128xf32> to vector<1x128x128xf32>
    %reduce_sum3A_216 = arith.constant dense<0.000000e+00> : vector<1xf32>
    %reduce_sum3A_217 = vector.multi_reduction <add>, %reduce_sum3A_215, %reduce_sum3A_216 [1, 2] : vector<1x128x128xf32> to vector<1xf32>
    %reduce_sum3A_218 = vector.shape_cast %reduce_sum3A_217 : vector<1xf32> to vector<1x1x1xf32>
    %reduce_sum3A_219 = vector.extract %reduce_sum3A_218[0, 0, 0] : f32 from vector<1x1x1xf32>
    %add3A_220 = arith.addf %add3A_195, %reduce_sum3A_207 : f32
    %gt3A_221 = vector.broadcast %get3A_22 : f32 to vector<128x128xf32>
    %gt3A_222 = arith.cmpf ogt, %get3A_1, %gt3A_221 : vector<128x128xf32>
    %le3A_223 = vector.broadcast %get3A_24 : f32 to vector<128x128xf32>
    %le3A_224 = arith.cmpf ole, %get3A_1, %le3A_223 : vector<128x128xf32>
    %and3A_225 = arith.andi %gt3A_222, %le3A_224 : vector<128x128xi1>
    %convert_element_type3A_226 = arith.extui %and3A_225 : vector<128x128xi1> to vector<128x128xi32>
    %convert_element_type3A_227 = arith.sitofp %convert_element_type3A_226 : vector<128x128xi32> to vector<128x128xf32>
    %reduce_sum3A_228 = vector.shape_cast %convert_element_type3A_227 : vector<128x128xf32> to vector<1x128x128xf32>
    %reduce_sum3A_229 = arith.constant dense<0.000000e+00> : vector<1xf32>
    %reduce_sum3A_230 = vector.multi_reduction <add>, %reduce_sum3A_228, %reduce_sum3A_229 [1, 2] : vector<1x128x128xf32> to vector<1xf32>
    %reduce_sum3A_231 = vector.shape_cast %reduce_sum3A_230 : vector<1xf32> to vector<1x1x1xf32>
    %reduce_sum3A_232 = vector.extract %reduce_sum3A_231[0, 0, 0] : f32 from vector<1x1x1xf32>
    %mul3A_233 = arith.mulf %convert_element_type3A_227, %get3A_1 : vector<128x128xf32>
    %reduce_sum3A_234 = vector.shape_cast %mul3A_233 : vector<128x128xf32> to vector<1x128x128xf32>
    %reduce_sum3A_235 = arith.constant dense<0.000000e+00> : vector<1xf32>
    %reduce_sum3A_236 = vector.multi_reduction <add>, %reduce_sum3A_234, %reduce_sum3A_235 [1, 2] : vector<1x128x128xf32> to vector<1xf32>
    %reduce_sum3A_237 = vector.shape_cast %reduce_sum3A_236 : vector<1xf32> to vector<1x1x1xf32>
    %reduce_sum3A_238 = vector.extract %reduce_sum3A_237[0, 0, 0] : f32 from vector<1x1x1xf32>
    %mul3A_239 = arith.mulf %convert_element_type3A_227, %get3A_4 : vector<128x128xf32>
    %reduce_sum3A_240 = vector.shape_cast %mul3A_239 : vector<128x128xf32> to vector<1x128x128xf32>
    %reduce_sum3A_241 = arith.constant dense<0.000000e+00> : vector<1xf32>
    %reduce_sum3A_242 = vector.multi_reduction <add>, %reduce_sum3A_240, %reduce_sum3A_241 [1, 2] : vector<1x128x128xf32> to vector<1xf32>
    %reduce_sum3A_243 = vector.shape_cast %reduce_sum3A_242 : vector<1xf32> to vector<1x1x1xf32>
    %reduce_sum3A_244 = vector.extract %reduce_sum3A_243[0, 0, 0] : f32 from vector<1x1x1xf32>
    %add3A_245 = arith.addf %add3A_220, %reduce_sum3A_232 : f32
    %gt3A_246 = vector.broadcast %get3A_24 : f32 to vector<128x128xf32>
    %gt3A_247 = arith.cmpf ogt, %get3A_1, %gt3A_246 : vector<128x128xf32>
    %le3A_248 = vector.broadcast %get3A_26 : f32 to vector<128x128xf32>
    %le3A_249 = arith.cmpf ole, %get3A_1, %le3A_248 : vector<128x128xf32>
    %and3A_250 = arith.andi %gt3A_247, %le3A_249 : vector<128x128xi1>
    %convert_element_type3A_251 = arith.extui %and3A_250 : vector<128x128xi1> to vector<128x128xi32>
    %convert_element_type3A_252 = arith.sitofp %convert_element_type3A_251 : vector<128x128xi32> to vector<128x128xf32>
    %reduce_sum3A_253 = vector.shape_cast %convert_element_type3A_252 : vector<128x128xf32> to vector<1x128x128xf32>
    %reduce_sum3A_254 = arith.constant dense<0.000000e+00> : vector<1xf32>
    %reduce_sum3A_255 = vector.multi_reduction <add>, %reduce_sum3A_253, %reduce_sum3A_254 [1, 2] : vector<1x128x128xf32> to vector<1xf32>
    %reduce_sum3A_256 = vector.shape_cast %reduce_sum3A_255 : vector<1xf32> to vector<1x1x1xf32>
    %reduce_sum3A_257 = vector.extract %reduce_sum3A_256[0, 0, 0] : f32 from vector<1x1x1xf32>
    %mul3A_258 = arith.mulf %convert_element_type3A_252, %get3A_1 : vector<128x128xf32>
    %reduce_sum3A_259 = vector.shape_cast %mul3A_258 : vector<128x128xf32> to vector<1x128x128xf32>
    %reduce_sum3A_260 = arith.constant dense<0.000000e+00> : vector<1xf32>
    %reduce_sum3A_261 = vector.multi_reduction <add>, %reduce_sum3A_259, %reduce_sum3A_260 [1, 2] : vector<1x128x128xf32> to vector<1xf32>
    %reduce_sum3A_262 = vector.shape_cast %reduce_sum3A_261 : vector<1xf32> to vector<1x1x1xf32>
    %reduce_sum3A_263 = vector.extract %reduce_sum3A_262[0, 0, 0] : f32 from vector<1x1x1xf32>
    %mul3A_264 = arith.mulf %convert_element_type3A_252, %get3A_4 : vector<128x128xf32>
    %reduce_sum3A_265 = vector.shape_cast %mul3A_264 : vector<128x128xf32> to vector<1x128x128xf32>
    %reduce_sum3A_266 = arith.constant dense<0.000000e+00> : vector<1xf32>
    %reduce_sum3A_267 = vector.multi_reduction <add>, %reduce_sum3A_265, %reduce_sum3A_266 [1, 2] : vector<1x128x128xf32> to vector<1xf32>
    %reduce_sum3A_268 = vector.shape_cast %reduce_sum3A_267 : vector<1xf32> to vector<1x1x1xf32>
    %reduce_sum3A_269 = vector.extract %reduce_sum3A_268[0, 0, 0] : f32 from vector<1x1x1xf32>
    %add3A_270 = arith.addf %add3A_245, %reduce_sum3A_257 : f32
    %max3A = arith.constant 1.000000e+00 : f32
    %max3A_271 = arith.maximumf %reduce_sum3A_33, %max3A : f32
    %div3A = arith.divf %reduce_sum3A_38, %max3A_271 : f32
    %div3A_272 = arith.divf %reduce_sum3A_44, %max3A_271 : f32
    %sub3A = arith.subf %div3A, %div3A_272 : f32
    %div3A_273 = arith.divf %reduce_sum3A_33, %add3A_270 : f32
    %mul3A_274 = arith.mulf %div3A_273, %sub3A : f32
    %mul3A_275 = arith.mulf %mul3A_274, %sub3A : f32
    %gt3A_276 = arith.constant 0.000000e+00 : f32
    %gt3A_277 = arith.cmpf ogt, %reduce_sum3A_33, %gt3A_276 : f32
    %jit3A = arith.constant 0.000000e+00 : f32
    %select_n3A = arith.select %gt3A_277, %mul3A_275, %jit3A : f32
    %add3A_278 = arith.constant 0.000000e+00 : f32
    %add3A_279 = arith.addf %add3A_278, %select_n3A : f32
    %max3A_280 = arith.constant 1.000000e+00 : f32
    %max3A_281 = arith.maximumf %reduce_sum3A_57, %max3A_280 : f32
    %div3A_282 = arith.divf %reduce_sum3A_63, %max3A_281 : f32
    %div3A_283 = arith.divf %reduce_sum3A_69, %max3A_281 : f32
    %sub3A_284 = arith.subf %div3A_282, %div3A_283 : f32
    %div3A_285 = arith.divf %reduce_sum3A_57, %add3A_270 : f32
    %mul3A_286 = arith.mulf %div3A_285, %sub3A_284 : f32
    %mul3A_287 = arith.mulf %mul3A_286, %sub3A_284 : f32
    %gt3A_288 = arith.constant 0.000000e+00 : f32
    %gt3A_289 = arith.cmpf ogt, %reduce_sum3A_57, %gt3A_288 : f32
    %jit3A_290 = arith.constant 0.000000e+00 : f32
    %select_n3A_291 = arith.select %gt3A_289, %mul3A_287, %jit3A_290 : f32
    %add3A_292 = arith.addf %add3A_279, %select_n3A_291 : f32
    %max3A_293 = arith.constant 1.000000e+00 : f32
    %max3A_294 = arith.maximumf %reduce_sum3A_82, %max3A_293 : f32
    %div3A_295 = arith.divf %reduce_sum3A_88, %max3A_294 : f32
    %div3A_296 = arith.divf %reduce_sum3A_94, %max3A_294 : f32
    %sub3A_297 = arith.subf %div3A_295, %div3A_296 : f32
    %div3A_298 = arith.divf %reduce_sum3A_82, %add3A_270 : f32
    %mul3A_299 = arith.mulf %div3A_298, %sub3A_297 : f32
    %mul3A_300 = arith.mulf %mul3A_299, %sub3A_297 : f32
    %gt3A_301 = arith.constant 0.000000e+00 : f32
    %gt3A_302 = arith.cmpf ogt, %reduce_sum3A_82, %gt3A_301 : f32
    %jit3A_303 = arith.constant 0.000000e+00 : f32
    %select_n3A_304 = arith.select %gt3A_302, %mul3A_300, %jit3A_303 : f32
    %add3A_305 = arith.addf %add3A_292, %select_n3A_304 : f32
    %max3A_306 = arith.constant 1.000000e+00 : f32
    %max3A_307 = arith.maximumf %reduce_sum3A_107, %max3A_306 : f32
    %div3A_308 = arith.divf %reduce_sum3A_113, %max3A_307 : f32
    %div3A_309 = arith.divf %reduce_sum3A_119, %max3A_307 : f32
    %sub3A_310 = arith.subf %div3A_308, %div3A_309 : f32
    %div3A_311 = arith.divf %reduce_sum3A_107, %add3A_270 : f32
    %mul3A_312 = arith.mulf %div3A_311, %sub3A_310 : f32
    %mul3A_313 = arith.mulf %mul3A_312, %sub3A_310 : f32
    %gt3A_314 = arith.constant 0.000000e+00 : f32
    %gt3A_315 = arith.cmpf ogt, %reduce_sum3A_107, %gt3A_314 : f32
    %jit3A_316 = arith.constant 0.000000e+00 : f32
    %select_n3A_317 = arith.select %gt3A_315, %mul3A_313, %jit3A_316 : f32
    %add3A_318 = arith.addf %add3A_305, %select_n3A_317 : f32
    %max3A_319 = arith.constant 1.000000e+00 : f32
    %max3A_320 = arith.maximumf %reduce_sum3A_132, %max3A_319 : f32
    %div3A_321 = arith.divf %reduce_sum3A_138, %max3A_320 : f32
    %div3A_322 = arith.divf %reduce_sum3A_144, %max3A_320 : f32
    %sub3A_323 = arith.subf %div3A_321, %div3A_322 : f32
    %div3A_324 = arith.divf %reduce_sum3A_132, %add3A_270 : f32
    %mul3A_325 = arith.mulf %div3A_324, %sub3A_323 : f32
    %mul3A_326 = arith.mulf %mul3A_325, %sub3A_323 : f32
    %gt3A_327 = arith.constant 0.000000e+00 : f32
    %gt3A_328 = arith.cmpf ogt, %reduce_sum3A_132, %gt3A_327 : f32
    %jit3A_329 = arith.constant 0.000000e+00 : f32
    %select_n3A_330 = arith.select %gt3A_328, %mul3A_326, %jit3A_329 : f32
    %add3A_331 = arith.addf %add3A_318, %select_n3A_330 : f32
    %max3A_332 = arith.constant 1.000000e+00 : f32
    %max3A_333 = arith.maximumf %reduce_sum3A_157, %max3A_332 : f32
    %div3A_334 = arith.divf %reduce_sum3A_163, %max3A_333 : f32
    %div3A_335 = arith.divf %reduce_sum3A_169, %max3A_333 : f32
    %sub3A_336 = arith.subf %div3A_334, %div3A_335 : f32
    %div3A_337 = arith.divf %reduce_sum3A_157, %add3A_270 : f32
    %mul3A_338 = arith.mulf %div3A_337, %sub3A_336 : f32
    %mul3A_339 = arith.mulf %mul3A_338, %sub3A_336 : f32
    %gt3A_340 = arith.constant 0.000000e+00 : f32
    %gt3A_341 = arith.cmpf ogt, %reduce_sum3A_157, %gt3A_340 : f32
    %jit3A_342 = arith.constant 0.000000e+00 : f32
    %select_n3A_343 = arith.select %gt3A_341, %mul3A_339, %jit3A_342 : f32
    %add3A_344 = arith.addf %add3A_331, %select_n3A_343 : f32
    %max3A_345 = arith.constant 1.000000e+00 : f32
    %max3A_346 = arith.maximumf %reduce_sum3A_182, %max3A_345 : f32
    %div3A_347 = arith.divf %reduce_sum3A_188, %max3A_346 : f32
    %div3A_348 = arith.divf %reduce_sum3A_194, %max3A_346 : f32
    %sub3A_349 = arith.subf %div3A_347, %div3A_348 : f32
    %div3A_350 = arith.divf %reduce_sum3A_182, %add3A_270 : f32
    %mul3A_351 = arith.mulf %div3A_350, %sub3A_349 : f32
    %mul3A_352 = arith.mulf %mul3A_351, %sub3A_349 : f32
    %gt3A_353 = arith.constant 0.000000e+00 : f32
    %gt3A_354 = arith.cmpf ogt, %reduce_sum3A_182, %gt3A_353 : f32
    %jit3A_355 = arith.constant 0.000000e+00 : f32
    %select_n3A_356 = arith.select %gt3A_354, %mul3A_352, %jit3A_355 : f32
    %add3A_357 = arith.addf %add3A_344, %select_n3A_356 : f32
    %max3A_358 = arith.constant 1.000000e+00 : f32
    %max3A_359 = arith.maximumf %reduce_sum3A_207, %max3A_358 : f32
    %div3A_360 = arith.divf %reduce_sum3A_213, %max3A_359 : f32
    %div3A_361 = arith.divf %reduce_sum3A_219, %max3A_359 : f32
    %sub3A_362 = arith.subf %div3A_360, %div3A_361 : f32
    %div3A_363 = arith.divf %reduce_sum3A_207, %add3A_270 : f32
    %mul3A_364 = arith.mulf %div3A_363, %sub3A_362 : f32
    %mul3A_365 = arith.mulf %mul3A_364, %sub3A_362 : f32
    %gt3A_366 = arith.constant 0.000000e+00 : f32
    %gt3A_367 = arith.cmpf ogt, %reduce_sum3A_207, %gt3A_366 : f32
    %jit3A_368 = arith.constant 0.000000e+00 : f32
    %select_n3A_369 = arith.select %gt3A_367, %mul3A_365, %jit3A_368 : f32
    %add3A_370 = arith.addf %add3A_357, %select_n3A_369 : f32
    %max3A_371 = arith.constant 1.000000e+00 : f32
    %max3A_372 = arith.maximumf %reduce_sum3A_232, %max3A_371 : f32
    %div3A_373 = arith.divf %reduce_sum3A_238, %max3A_372 : f32
    %div3A_374 = arith.divf %reduce_sum3A_244, %max3A_372 : f32
    %sub3A_375 = arith.subf %div3A_373, %div3A_374 : f32
    %div3A_376 = arith.divf %reduce_sum3A_232, %add3A_270 : f32
    %mul3A_377 = arith.mulf %div3A_376, %sub3A_375 : f32
    %mul3A_378 = arith.mulf %mul3A_377, %sub3A_375 : f32
    %gt3A_379 = arith.constant 0.000000e+00 : f32
    %gt3A_380 = arith.cmpf ogt, %reduce_sum3A_232, %gt3A_379 : f32
    %jit3A_381 = arith.constant 0.000000e+00 : f32
    %select_n3A_382 = arith.select %gt3A_380, %mul3A_378, %jit3A_381 : f32
    %add3A_383 = arith.addf %add3A_370, %select_n3A_382 : f32
    %max3A_384 = arith.constant 1.000000e+00 : f32
    %max3A_385 = arith.maximumf %reduce_sum3A_257, %max3A_384 : f32
    %div3A_386 = arith.divf %reduce_sum3A_263, %max3A_385 : f32
    %div3A_387 = arith.divf %reduce_sum3A_269, %max3A_385 : f32
    %sub3A_388 = arith.subf %div3A_386, %div3A_387 : f32
    %div3A_389 = arith.divf %reduce_sum3A_257, %add3A_270 : f32
    %mul3A_390 = arith.mulf %div3A_389, %sub3A_388 : f32
    %mul3A_391 = arith.mulf %mul3A_390, %sub3A_388 : f32
    %gt3A_392 = arith.constant 0.000000e+00 : f32
    %gt3A_393 = arith.cmpf ogt, %reduce_sum3A_257, %gt3A_392 : f32
    %jit3A_394 = arith.constant 0.000000e+00 : f32
    %select_n3A_395 = arith.select %gt3A_393, %mul3A_391, %jit3A_394 : f32
    %add3A_396 = arith.addf %add3A_383, %select_n3A_395 : f32
    %broadcast_in_dim3A = vector.broadcast %add3A_396 : f32 to vector<1x1xf32>
    %sqrt3A = math.sqrt %broadcast_in_dim3A : vector<1x1xf32>
    %swap3A = arith.constant 0 : index
    %swap3A_397 = arith.constant 0 : index
    %swap3A_398 = vector.load %arg3[%swap3A, %swap3A_397] : memref<1x1xf32, #tpu.memory_space<vmem>>, vector<1x1xf32>
    tpu.vector_store %arg3[%swap3A, %swap3A_397], %sqrt3A {strides = array<i32>} : memref<1x1xf32, #tpu.memory_space<vmem>>, vector<1x1xf32>,
    return
  }
}

</mosaic_0001>

<sc_bundles>
// kernel: kernel.4.cloned.1.call-start
scs
__scs_entry_jumppad:
0x0: {  	(pc) =	sbr.rel $0x88, $3  }
0x1: {  	(tag) =	ssettag $0x0;
	lr =	simm.s32 $0x1  }
0x2: {  	[smem:$0x3F9F] =	sst lr;
	_ =	strace $0xD0000000  }
0x3: {  	_ = 	snop  }
0x4: {  	_ = 	snop  }
0x5: {  	_ = 	snop  }
0x6: {  	_ = 	snop  }
0x7: {  	_ = 	snop  }
__scs_overlays_trampoline_lowered:
0x8: {  	[smem:$0x3FAE] =	sst s0  }
0x9: {  	[smem:$0x3FAF] =	sst s1  }
0xa: {  	[smem:$0x3FB0] =	sst s2  }
0xb: {  	[smem:$0x3FB1] =	sst s3  }
0xc: {  	[smem:$0x3FB2] =	sst s4  }
0xd: {  	[smem:$0x3FB3] =	sst s5  }
0xe: {  	[smem:$0x3FB4] =	sst s6  }
0xf: {  	[smem:$0x3FB5] =	sst s7  }
0x10: {  	[smem:$0x3FB6] =	sst s8  }
0x11: {  	[smem:$0x3FB7] =	sst s9;
	s0 =	simm.s32 @!p0 $0x0  }
0x12: {  	s1 =	sld [smem:$0x3F9D];
	s0 =	simm.s32 @p0 $0x1  }
0x13: {  	[smem:$0x3FB8] =	sst s0;
	s0 =	simm.s32 @!p1 $0x0  }
0x14: {  	s2 =	sld [smem:$0x3F9C];
	s0 =	simm.s32 @p1 $0x1  }
0x15: {  	[smem:$0x3FB9] =	sst s0;
	s0 =	simm.s32 @!p2 $0x0  }
0x16: {  	s3 =	sld [smem:$0x3FDB];
	s0 =	simm.s32 @p2 $0x1  }
0x17: {  	s4 =	simm.s32 $0x1BF5;
	[smem:$0x3FBB] =	sst s0  }
0x18: {  	s0 =	sld [smem:$0x3F9E];
	_ =	swait.ge [sflag:s4], $0x0  }
0x19: {  	s7 =	sld [smem:$0x3F9F]  }
0x1a: {  	s8 =	sadd.s32 $0xFFFFE003, lr  }
0x1b: {  	s9 =	sadd.s32 $0xFFFFFEF7, lr;
	s5 =	simm.s32 $0xFFFFFFFF;
	p2 =	slt.u32 s8, $0xFFFFF086  }
0x1c: {  	p1 =	slt.u32 s9, $0xF7A;
	s5 =	simm.s32 @!p2 $0x0  }
0x1d: {  	s5 =	simm.s32 @p1 $0x1;
	p0 =	seq.s32 s7, s2  }
0x1e: {  	s7 =	smul.u32 @!p0 $0xF7A, s2;
	p2 =	seq.s32 @!p0 s5, $0x0  }
0x1f: {  	s9 =	smul.u32 $0xF7A, s1;
	s8 =	simm.s32 @!p0 $0x1BF5;
	p2 =	por !p2, p0  }
0x20: {  	[sflag:s8] =	ssyncset.s32 @!p0 $0xFFFFF086;
	s6 =	sadd.s32 @!p0 s3, s7;
	s7 =	simm.s32 @!p0 $0x108  }
0x21: {  	s3 =	sadd.s32 s3, s9;
	s6 =	sadd.s32 @!p0 $0x88, s6;
	s7 =	simm.s32 @p2 $0x1082  }
0x22: {  	[simem:s7], [sflag:s8] =	dma.local @!p0 [hbm:s6], $0xF7A  }
0x23: {  	s9 =	sor.u32 $0xD0000000, s2;
	s6 =	simm.s32 $0x108;
	_ =	swait.ge @!p0 [sflag:s8], $0x0  }
0x24: {  	s3 =	sadd.s32 $0x88, s3;
	s6 =	simm.s32 @!p1 $0x1082;
	[sflag:s4] =	ssyncset.s32 $0xFFFFF086  }
0x25: {  	[simem:s6], [sflag:s4] =	dma.local [hbm:s3], $0xF7A  }
0x26: {  	[smem:$0x3F9F] =	sst s1;
	(tag) =	ssettag s2;
	_ =	strace s9  }
0x27: {  	s1 =	sld [smem:$0x3FAF]  }
0x28: {  	s2 =	sld [smem:$0x3FB0]  }
0x29: {  	s4 =	sld [smem:$0x3FB2]  }
0x2a: {  	p0 =	seq.s32 s5, $0x0;
	s5 =	sld [smem:$0x3FB3]  }
0x2b: {  	s6 =	sld [smem:$0x3FB4]  }
0x2c: {  	s7 =	sld [smem:$0x3FB5]  }
0x2d: {  	s3 =	simm.s32 $0x108;
	s8 =	sld [smem:$0x3FB6]  }
0x2e: {  	s3 =	simm.s32 @!p0 $0x1082;
	s9 =	sld [smem:$0x3FB7]  }
0x2f: {  	lr =	sadd.s32 s0, s3;
	s0 =	sld [smem:$0x3FAE]  }
0x30: {  	s3 =	sld [smem:$0x3FB1]  }
0x31: {  	[smem:$0x3FBA] =	sst s10  }
0x32: {  	s10 =	sld [smem:$0x3FB8];
	_ =	sdelay $0x3  }
0x33: {  	p0 =	seq.s32 s10, $0x1;
	s10 =	sld [smem:$0x3FBA];
	_ =	sdelay $0x3  }
0x34: {  	[smem:$0x3FBA] =	sst s10  }
0x35: {  	s10 =	sld [smem:$0x3FB9];
	_ =	sdelay $0x3  }
0x36: {  	p1 =	seq.s32 s10, $0x1;
	s10 =	sld [smem:$0x3FBA];
	_ =	sdelay $0x3  }
0x37: {  	[smem:$0x3FBA] =	sst s10  }
0x38: {  	s10 =	sld [smem:$0x3FBB]  }
0x39: {  	_ = 	snop;
	(pc) =	sbr.ind lr, $3  }
0x3a: {  	_ = 	snop  }
0x3b: {  	_ = 	snop  }
0x3c: {  	p2 =	seq.s32 s10, $0x1;
	s10 =	sld [smem:$0x3FBA]  }
0x3d: {  	_ =	shalt  }
0x3e: {  	_ =	shalt  }
0x3f: {  	_ =	shalt  }
0x40: {  	_ =	shalt  }
0x41: {  	_ =	shalt  }
0x42: {  	_ =	shalt  }
0x43: {  	_ =	shalt  }
0x44: {  	_ =	shalt  }
0x45: {  	_ =	shalt  }
0x46: {  	_ =	shalt  }
0x47: {  	_ =	shalt  }
0x48: {  	_ =	shalt  }
0x49: {  	_ =	shalt  }
0x4a: {  	_ =	shalt  }
0x4b: {  	_ =	shalt  }
0x4c: {  	_ =	shalt  }
0x4d: {  	_ =	shalt  }
0x4e: {  	_ =	shalt  }
0x4f: {  	_ =	shalt  }
0x50: {  	_ =	shalt  }
0x51: {  	_ =	shalt  }
0x52: {  	_ =	shalt  }
0x53: {  	_ =	shalt  }
0x54: {  	_ =	shalt  }
0x55: {  	_ =	shalt  }
0x56: {  	_ =	shalt  }
0x57: {  	_ =	shalt  }
0x58: {  	_ =	shalt  }
0x59: {  	_ =	shalt  }
0x5a: {  	_ =	shalt  }
0x5b: {  	_ =	shalt  }
0x5c: {  	_ =	shalt  }
0x5d: {  	_ =	shalt  }
0x5e: {  	_ =	shalt  }
0x5f: {  	_ =	shalt  }
0x60: {  	_ =	shalt  }
0x61: {  	_ =	shalt  }
0x62: {  	_ =	shalt  }
0x63: {  	_ =	shalt  }
0x64: {  	_ =	shalt  }
0x65: {  	_ =	shalt  }
0x66: {  	_ =	shalt  }
0x67: {  	_ =	shalt  }
0x68: {  	_ =	shalt  }
0x69: {  	_ =	shalt  }
0x6a: {  	_ =	shalt  }
0x6b: {  	_ =	shalt  }
0x6c: {  	_ =	shalt  }
0x6d: {  	_ =	shalt  }
0x6e: {  	_ =	shalt  }
0x6f: {  	_ =	shalt  }
0x70: {  	_ =	shalt  }
0x71: {  	_ =	shalt  }
0x72: {  	_ =	shalt  }
0x73: {  	_ =	shalt  }
0x74: {  	_ =	shalt  }
0x75: {  	_ =	shalt  }
0x76: {  	_ =	shalt  }
0x77: {  	_ =	shalt  }
0x78: {  	_ =	shalt  }
0x79: {  	_ =	shalt  }
0x7a: {  	_ =	shalt  }
0x7b: {  	_ =	shalt  }
0x7c: {  	_ =	shalt  }
0x7d: {  	_ =	shalt  }
0x7e: {  	_ =	shalt  }
0x7f: {  	_ =	shalt  }
0x80: {  	_ =	shalt  }
0x81: {  	_ =	shalt  }
0x82: {  	_ =	shalt  }
0x83: {  	_ =	shalt  }
0x84: {  	_ =	shalt  }
0x85: {  	_ =	shalt  }
0x86: {  	_ =	shalt  }
0x87: {  	_ =	shalt  }
.Lfunc_end0:
.L_simem_size_0:
called_computation_lowered:
.L_overlay_start_0:
0x88: {  	s2 =	sld [smem:$0x3FD9]  }
0x89: {  	s3 =	sld [smem:$0x3FFE];
	_ =	sdelay $0x1  }
0x8a: {  	s1 =	srdreg.scid  }
0x8b: {  	s0 =	sand.u32 $0x1, s1  }
0x8c: {  	s17 =	sshll.u32 s0, $0xA;
	s2 =	sadd.s32 s3, s2  }
0x8d: {  	s2 =	sadd.s32 s2, s17  }
0x8e: {  	[smem:$0x3FC6] =	sst s2  }
0x8f: {  	_ = 	snop  }
0x90: {  	s2 =	sld [smem:$0x3FC8];
	(tm) =	ssettm $0x1  }
0x91: {  	s18 =	sld [smem:$0x3FFB];
	_ =	sdelay $0x3  }
0x92: {  	_ =	strace s18  }
0x93: {  	s3 =	sld [smem:$0x3FFC];
	_ =	sdelay $0x3  }
0x94: {  	_ =	strace s3  }
0x95: {  	s3 =	sld [smem:$0x3FFD];
	_ =	sdelay $0x3  }
0x96: {  	_ =	strace s3  }
0x97: {  	_ =	strace $0x8FFFFFFF  }
0x98: {  	s19 =	sld [smem:$0x3FDB];
	_ =	sdelay $0x1  }
0x99: {  	s4 =	simm.s32 $_scs_section_size  }
0x9a: {  	s5 =	simm.s32 $_size__tile_overlayer_lowered;
	s6 =	simm.s32 $_tile_overlayer_lowered  }
0x9b: {  	s22 =	simm.s32 $0x1BFF;
	s21 =	sshll.u32 s6, $0x1;
	s3 =	sadd.s32 s4, s19  }
0x9c: {  	s7 =	simm.s32 $0x0;
	s20 =	sshll.u32 s5, $0x1;
	s5 =	sadd.s32 s21, s3  }
0x9d: {  	[timem:s7], [sflag:s22] =	dma.local [hbm:s5], s20  }
0x9e: {  	_ =	swait.ge [sflag:s22], s20  }
0x9f: {  	s4 =	ssub.s32 $0x0, s20;
	[sflag:s22] =	ssyncset.done $0x0  }
0xa0: {  	[sflag:s22] =	ssyncadd.s32 s4;
	_ =	sdelay $0x1  }
0xa1: {  	s23 =	simm.s32 $0x1B8B  }
0xa2: {  	_ =	swait.ge [sflag:s23], $0x1  }
0xa3: {  	[sflag:s23] =	ssyncset.done $0x0  }
0xa4: {  	s25 =	simm.s32 $0x1B8E;
	s24 =	sld [smem:$0x3FFE];
	[sflag:s23] =	ssyncadd.s32 $0xFFFFFFFF  }
0xa5: {  	s26 =	simm.s32 $execute0_lowered;
	[smem:$0x3FD2] =	sst s25  }
0xa6: {  	s5 =	sshll.u32 s26, $0x1;
	_ =	strace $0x80000046;
	[dreg:$0x1] =	wrdreg $0xFFFFFFFF  }
0xa7: {  	s28 =	simm.s32 $_size_execute0_lowered;
	s3 =	sadd.s32 s3, s5;
	[dreg:$0x0] =	wrdreg $0x0  }
0xa8: {  	s5 =	sshll.u32 s28, $0x1;
	[dreg:$0x2] =	wrdreg s3  }
0xa9: {  	[dreg:$0x3] =	wrdreg s5  }
0xaa: {  	[dreg:$0x4] =	wrdreg $0xC0  }
0xab: {  	_ =	task [dreg:s7], $0x5FFFF  }
0xac: {  	[dreg:$0x1] =	wrdreg $0xFFFFFFFF  }
0xad: {  	[dreg:$0x0] =	wrdreg $0x60  }
0xae: {  	[dreg:$0x2] =	wrdreg s24  }
0xaf: {  	[dreg:$0x3] =	wrdreg s2  }
0xb0: {  	[dreg:$0x4] =	wrdreg $0x9  }
0xb1: {  	_ =	task.clear_ibuf [dreg:s7], $0x5FFFF;
	_ =	strace $0x90000046  }
0xb2: {  	s29 =	simm.s32 $0x9;
	_ =	strace $0x80000048  }
0xb3: {  	_ =	swait.ge [sflag:s29], $0x1  }
0xb4: {  	[sflag:s29] =	ssyncadd.s32 $0xFFFFFFFF  }
0xb5: {  	_ =	strace $0x90000048  }
0xb6: {  	_ =	sfence  }
0xb7: {  	s30 =	sld [smem:$0x0];
	_ =	sdelay $0x2  }
0xb8: {  	s31 =	sshll.u32 s1, $0xD;
	s1 =	sshrl.u32 s1, $0x2  }
0xb9: {  	s3 =	sand.u32 $0x4000, s31;
	s1 =	sadd.s32 s1, s30  }
0xba: {  	s0 =	sor.u32 s3, s0;
	s1 =	sshll.u32 s1, $0x11  }
0xbb: {  	s0 =	sor.u32 s1, s0  }
0xbc: {  	s0 =	sadd.s32 $0x8F2B, s0  }
0xbd: {  	[sflag:s0] =	ssyncadd.remote.s32 $0x1  }
0xbe: {  	_ =	sfence.sel $0xFFFF  }
0xbf: {  	[dreg:$0x0] =	wrdreg $0xFFFFFFFF;
	(pc) =	sbr.abs _section_cstart, $3  }
0xc0: {  	[dreg:$0x1] =	wrdreg $0xFFFFFFFF  }
0xc1: {  	_ =	task.clear_ibuf [dreg:s7], $0x2FFFF;
	_ =	strace $0x9FFFFFFF  }
0xc2: {  	(tm) =	ssettm $0x7FFFFFFF  }
0xc3: {  	_ =	shalt  }
tec
execute0_lowered:
.L_overlay_start_1:
0x0: {  	(tag) =	ssettag $0x1  }
0x1: {  	v0 =	vimm.s32 $0x2380;
	vm0 =	vcmask $0x300;
	v1 =	vimm.s32 $0x6380  }
0x2: {  	vm1 =	vcmask $0x704;
	v0 =	vsel vm0, $0x0, v0;
	v1 =	vsel vm0, $0x4000, v1  }
0x3: {  	s3 =	rddreg [dreg:$0x0];
	vm15 =	vcmask $0xB08;
	v0 =	vsel vm1, $0x80, v0;
	v1 =	vsel vm1, $0x4080, v1  }
0x4: {  	s4 =	rddreg [dreg:$0x1];
	vm4 =	vcmask $0xF0C;
	v0 =	vsel vm15, $0x100, v0;
	v1 =	vsel vm15, $0x4100, v1  }
0x5: {  	s0 =	rddreg [dreg:$0x2];
	s5 =	srdreg.scid;
	vm5 =	vcmask $0x1310;
	s2 =	simm.s32 $0x0;
	v0 =	vsel vm4, $0x180, v0;
	v1 =	vsel vm4, $0x4180, v1  }
0x6: {  	s1 =	stileid.u32;
	vm6 =	vcmask $0x1714;
	s12 =	simm.s32 $0x8000;
	s13 =	simm.s32 $0x2;
	v0 =	vsel vm5, $0x200, v0;
	v1 =	vsel vm5, $0x4200, v1  }
0x7: {  	vm7 =	vcmask $0x1B18;
	s14 =	simm.s32 $0x10200;
	s15 =	simm.s32 $0x10400;
	s16 =	simm.s32 $0x0;
	v0 =	vsel vm6, $0x280, v0;
	v1 =	vsel vm6, $0x4280, v1  }
0x8: {  	vm8 =	vcmask $0x1F1C;
	s6 =	sand.u32 $0x1, s5;
	[smem:$0x7FF] =	sst s2;
	s28 =	sshll.u32 s1, $0xA;
	v0 =	vsel vm7, $0x300, v0;
	v1 =	vsel vm7, $0x4300, v1  }
0x9: {  	vm9 =	vcmask $0x2320;
	s8 =	sadd.s32 $0xC00, s3;
	s30 =	sshll.u32 s1, $0x11;
	s7 =	sshll.u32 s6, $0x9;
	v0 =	vsel vm8, $0x380, v0;
	v1 =	vsel vm8, $0x4380, v1  }
0xa: {  	vm10 =	vcmask $0x2724;
	_ =	strace $0x80000047;
	s29 =	ssub.s32 $0x2, s6;
	s5 =	sor.u32 s7, s28;
	v0 =	vsel vm9, $0x2000, v0;
	v1 =	vsel vm9, $0x6000, v1  }
0xb: {  	vm11 =	vcmask $0x2B28;
	s31 =	sshll.u32 s6, $0x10;
	s10 =	sshrl.u32 s29, $0x1;
	s9 =	sshrl.u32 s5, $0x3;
	v0 =	vsel vm10, $0x2080, v0;
	v1 =	vsel vm10, $0x6080, v1  }
.Ltmp0:
0xc: {  	vm12 =	vcmask $0x2F2C;
	s10 =	ssub.s32 s29, s10;
	s5 =	sshll.u32 s5, $0x7;
	v0 =	vsel vm11, $0x2100, v0;
	v1 =	vsel vm11, $0x6100, v1;
	(pc) =	sbr.rel .LBB2_1-.Ltmp0, $4  }
0xd: {  	vm13 =	vcmask $0x3330;
	s11 =	sadd.s32 s9, s3;
	s3 =	sadd.s32 s4, s9;
	s4 =	sadd.s32 s8, s5;
	v0 =	vsel vm12, $0x2180, v0;
	v1 =	vsel vm12, $0x6180, v1  }
0xe: {  	vm14 =	vcmask $0x3734;
	s8 =	sadd.s32 s30, s8;
	s5 =	sadd.s32 $0x200C00, s11;
	s6 =	sadd.s32 $0x1000, s4;
	v0 =	vsel vm13, $0x2200, v0;
	v1 =	vsel vm13, $0x6200, v1  }
0xf: {  	vm15 =	vcmask $0x3B38;
	s7 =	sadd.s32 $0x201400, s11;
	s9 =	sadd.s32 s31, s8;
	s8 =	smax.u32 s10, $0x1;
	v0 =	vsel vm14, $0x2280, v0;
	v2 =	vsel vm14, $0x6280, v1  }
0x10: {  	s10 =	simm.s32 $0x10000;
	s11 =	simm.s32 $0x1;
	s9 =	sadd.s32 $0x2000, s9;
	v1 =	vimm.f32 $0.0e+00;
	v0 =	vsel vm15, $0x2300, v0;
	v2 =	vsel vm15, $0x6300, v2  }
.LBB2_4:
0x11: {  	[hbm4b:s5+s2] =	stream.linear.scatter [tilespmem:s14], [sflag:$0x1], $0x200, $0x38;
	[tilespmem:$0x10600] =	vst v63  }
0x12: {  	s16 =	sadd.s32 $0x1, s16;
	_ =	swait.ge [sflag:s11], $0x200  }
0x13: {  	p0 =	sne.s32 s16, s8;
	[sflag:s11] =	ssyncset.done $0x0  }
.Ltmp1:
0x14: {  	[sflag:s11] =	ssyncadd.s32 $0xFFFFFE00;
	(pc) =	sbr.rel @!p0 .LBB2_5-.Ltmp1, $4  }
0x15: {  	[hbm4b:s7+s2] =	stream.linear.scatter [tilespmem:s15], [sflag:$0x1], $0x200, $0x38;
	[tilespmem:$0x10600] =	vst v63  }
0x16: {  	_ =	swait.ge [sflag:s11], $0x200  }
0x17: {  	[sflag:s11] =	ssyncset.done $0x0  }
0x18: {  	[sflag:s11] =	ssyncadd.s32 $0xFFFFFE00  }
.LBB2_1:
0x19: {  	[tilespmem:s10], [sflag:$0x1] =	stream.linear.gather [hbm4b:s3+s2], $0x200, $0x38;
	[tilespmem:$0x10600] =	vst v63  }
0x1a: {  	_ =	swait.ge [sflag:s11], $0x200  }
0x1b: {  	[sflag:s11] =	ssyncset.done $0x0  }
0x1c: {  	[sflag:s11] =	ssyncadd.s32 $0xFFFFFE00  }
0x1d: {  	[tilespmem:s2], [sflag:$0x1] =	stream.linear.gather [hbm4b:s4+s2], $0x8000, $0x38;
	[tilespmem:$0x10600] =	vst v63  }
0x1e: {  	s17 =	smov.u32 s9;
	s18 =	simm.s32 $0x0  }
0x1f: {  	[tilespmem:s12], [sflag:$0x2] =	stream.linear.gather [hbm4b:s6+s2], $0x8000, $0x38;
	[tilespmem:$0x10600] =	vst v63  }
.LBB2_2:
0x20: {  	_ =	swait.ge [sflag:s11], $0x8000  }
0x21: {  	[sflag:s11] =	ssyncset.done $0x0  }
0x22: {  	s19 =	sshra.s32 s18, $0x2;
	[sflag:s11] =	ssyncadd.s32 $0xFFFF8000  }
0x23: {  	v3 =	vld [tilespmem:s19+$0x10000];
	_ =	sdelay $0x4  }
0x24: {  	v4 =	vshll.u32 v3, $0x3  }
0x25: {  	v3 =	vand.u32 $0x7F, v3;
	v4 =	vand.u32 $0xFFFFFC00, v4  }
0x26: {  	v3 =	vor.u32 v3, v4  }
0x27: {  	v3 =	vadd.s32 v0, v3  }
0x28: {  	v59 =	vld [tilespmem:s19+$0x10010];
	_ =	sdelay $0x2  }
0x29: {  	v5 =	vld [tilespmem:$0x0]  }
0x2a: {  	v3 =	vld.idx.msk [tilespmem:v3+s2+$0x0], $0xffff  }
0x2b: {  	v6 =	vshll.u32 v59, $0x3  }
0x2c: {  	v6 =	vand.u32 $0xFFFFFC00, v6;
	v4 =	vand.u32 $0x7F, v59  }
0x2d: {  	v4 =	vor.u32 v4, v6  }
0x2e: {  	v4 =	vadd.s32 v2, v4  }
0x2f: {  	vm0 =	veq.f32 v3, v5  }
0x30: {  	[tilespmem:s19+$0x10200] =	vst v5;
	v3 =	vsel vm0, $0x3F800000, v1  }
0x31: {  	[tilespmem:s19+$0x10400] =	vst v3  }
0x32: {  	v3 =	vld [tilespmem:$0x80]  }
0x33: {  	v4 =	vld.idx.msk [tilespmem:v4+s2+$0x0], $0xffff;
	_ =	sdelay $0x4  }
0x34: {  	vm13 =	veq.f32 v4, v3  }
0x35: {  	p0 =	seq.s32 s18, $0x700;
	[tilespmem:s19+$0x10210] =	vst v3;
	v4 =	vsel vm13, $0x3F800000, v1  }
0x36: {  	s20 =	simm.s32 @!p0 $0x0;
	[tilespmem:s19+$0x10410] =	vst v4  }
0x37: {  	[tilespmem:s20], [sflag:$0x1] =	stream.linear.gather @!p0 [hbm4b:s17+s20], $0x8000, $0x38;
	[tilespmem:$0x10600] =	vst v63  }
0x38: {  	_ =	swait.ge [sflag:s13], $0x8000  }
0x39: {  	[sflag:s13] =	ssyncset.done $0x0  }
0x3a: {  	[sflag:s13] =	ssyncadd.s32 $0xFFFF8000  }
0x3b: {  	v3 =	vld [tilespmem:s19+$0x10020];
	_ =	sdelay $0x4  }
0x3c: {  	v60 =	vshll.u32 v3, $0x3  }
0x3d: {  	v3 =	vand.u32 $0x7F, v3;
	v4 =	vand.u32 $0xFFFFFC00, v60  }
0x3e: {  	v3 =	vor.u32 v3, v4  }
0x3f: {  	v3 =	vadd.s32 v0, v3  }
0x40: {  	v61 =	vld [tilespmem:s19+$0x10030];
	_ =	sdelay $0x2  }
0x41: {  	v62 =	vld [tilespmem:$0x8000]  }
0x42: {  	v3 =	vld.idx.msk [tilespmem:v3+s12+$0x0], $0xffff  }
0x43: {  	v63 =	vshll.u32 v61, $0x3  }
0x44: {  	v6 =	vand.u32 $0xFFFFFC00, v63;
	v4 =	vand.u32 $0x7F, v61  }
0x45: {  	v4 =	vor.u32 v4, v6  }
0x46: {  	v4 =	vadd.s32 v2, v4  }
0x47: {  	vm14 =	veq.f32 v3, v62  }
0x48: {  	[tilespmem:s19+$0x10220] =	vst v62;
	v3 =	vsel vm14, $0x3F800000, v1  }
0x49: {  	[tilespmem:s19+$0x10420] =	vst v3  }
0x4a: {  	v3 =	vld [tilespmem:$0x8080]  }
0x4b: {  	v4 =	vld.idx.msk [tilespmem:v4+s12+$0x0], $0xffff;
	_ =	sdelay $0x2  }
.Ltmp2:
0x4c: {  	_ = 	snop;
	(pc) =	sbr.rel @p0 .LBB2_4-.Ltmp2, $4  }
0x4d: {  	_ = 	snop  }
0x4e: {  	vm15 =	veq.f32 v4, v3  }
0x4f: {  	[tilespmem:s19+$0x10230] =	vst v3;
	v4 =	vsel vm15, $0x3F800000, v1  }
0x50: {  	[tilespmem:s19+$0x10430] =	vst v4  }
.Ltmp3:
0x51: {  	(pc) =	sbr.rel .LBB2_2-.Ltmp3, $3  }
0x52: {  	_ =	sdelay $0x1  }
0x53: {  	s19 =	sadd.s32 $0x1000, s17;
	s18 =	sadd.s32 $0x100, s18;
	s17 =	sadd.s32 $0x2000, s17  }
0x54: {  	[tilespmem:s12], [sflag:$0x2] =	stream.linear.gather [hbm4b:s19+s2], $0x8000, $0x38;
	[tilespmem:$0x10600] =	vst v63  }
.LBB2_5:
0x55: {  	_ =	sfence.sel $0x180000  }
0x56: {  	[bflag:$0x0] =	sbarrier.arrive $0xFFFF  }
0x57: {  	p0 =	sne.s32 s1, $0x0;
	_ =	strace $0x90000047  }
0x58: {  	s0 =	sadd.s32 @!p0 $0x100000, s0;
	[bflag:$0x2] =	sbarrier.arrive $0xFFFF  }
0x59: {  	[sflag:s0] =	ssyncadd.tile.s32 @!p0 $0x1;
	_ =	shalt  }
.Lfunc_end2:
_tile_overlayer_lowered:
.L_overlay_start_2:
0x5a: {  	(tag) =	ssettag $0x2  }
0x5b: {  	s0 =	rddreg [dreg:$0x0];
	s2 =	stileid.u32  }
0x5c: {  	s1 =	rddreg [dreg:$0x1];
	p0 =	sne.s32 s2, $0x0  }
0x5d: {  	s3 =	rddreg [dreg:$0x2];
	[bflag:$0x3] =	sbarrier.arrive $0xFFFF;
	s2 =	simm.s32 @!p0 $0x1C03  }
0x5e: {  	[timem:s3], [sflag:s2] =	dma.local @!p0 [hbm:s0], s1  }
0x5f: {  	s0 =	simm.s32 @!p0 $0x3  }
0x60: {  	_ =	swait.ge @!p0 [sflag:s0], s1  }
0x61: {  	s1 =	ssub.s32 @!p0 $0x0, s1;
	[sflag:s0] =	ssyncset.done @!p0 $0x0  }
0x62: {  	[sflag:s0] =	ssyncadd.s32 @!p0 s1  }
0x63: {  	[bflag:$0x3] =	sbarrier.arrive $0xFFFF  }
0x64: {  	_ =	shalt  }

</sc_bundles>
